<compile_context>
chip_gen: v7x
topology: tpu7x:2x2x1
jax: 0.10.2.dev20260603
libtpu: 0.0.44.dev20260713+nightly
codegen_flags: <defaults>
</compile_context>

<pallas_src>
import functools

import jax
import jax.numpy as jnp
from jax import lax
from jax.experimental import pallas as pl
from jax.experimental.pallas import tpu as pltpu
from jax.experimental.pallas import tpu_sc as plsc

T = 2048
NHID = 1024
NCLS = 100
CHUNK = 1000
P = 20
PPAD = 32
POUT = 24

NW = 32
H = 50
NSC = NCLS - H
SLOTS = 2


def _sc_gather(x, idx3):
    mesh = plsc.VectorSubcoreMesh(core_axis_name="c", subcore_axis_name="s")

    @functools.partial(
        pl.kernel,
        out_type=jax.ShapeDtypeStruct((NSC, POUT, NHID), jnp.float32),
        mesh=mesh,
        cost_estimate=pl.CostEstimate(
            flops=0, bytes_accessed=16 * 1024 * 1024, transcendentals=0),
        scratch_types=[
            pltpu.VMEM((SLOTS, PPAD), jnp.int32),
            pltpu.VMEM((SLOTS, PPAD, NHID), jnp.float32),
            pltpu.SemaphoreType.DMA,
            pltpu.SemaphoreType.DMA,
            pltpu.SemaphoreType.DMA,
            pltpu.SemaphoreType.DMA,
        ],
    )
    def gather_k(x_hbm, idx_hbm, out_hbm, idx_v, rows_v, g0, g1, w0, w1):
        gsem = (g0, g1)
        wsem = (w0, w1)
        wid = lax.axis_index("s") * 2 + lax.axis_index("c")
        pltpu.sync_copy(idx_hbm.at[:, wid], idx_v)

        def cls_of(k):
            return k * NW + wid

        for k in range(SLOTS):
            @pl.when(cls_of(k) < NSC)
            def _(k=k):
                pltpu.async_copy(x_hbm.at[idx_v.at[k]], rows_v.at[k], gsem[k])
        for k in range(SLOTS):
            @pl.when(cls_of(k) < NSC)
            def _(k=k):
                pltpu.make_async_copy(
                    x_hbm.at[idx_v.at[k]], rows_v.at[k], gsem[k]).wait()
                pltpu.async_copy(rows_v.at[k, pl.ds(0, POUT)],
                                 out_hbm.at[cls_of(k)], wsem[k])
        for k in range(SLOTS):
            @pl.when(cls_of(k) < NSC)
            def _(k=k):
                pltpu.make_async_copy(rows_v.at[k, pl.ds(0, POUT)],
                                      out_hbm.at[cls_of(k)], wsem[k]).wait()

    return gather_k(x, idx3)


def _tcg_body(idx_ref, x_ref, xany_ref, Wc_ref, bc_ref, Ww_ref, bw_ref,
              pclass_ref, pwords_ref, rows_ref, sems):
    c = pl.program_id(0)

    def fetch_rows(cls, b):
        for i in range(P):
            pltpu.make_async_copy(
                xany_ref.at[pl.ds(idx_ref[cls, i], 1)],
                rows_ref.at[b, pl.ds(i, 1)],
                sems.at[b]).start()

    def wait_rows(cls, b):
        for i in range(P):
            pltpu.make_async_copy(
                xany_ref.at[pl.ds(idx_ref[cls, i], 1)],
                rows_ref.at[b, pl.ds(i, 1)],
                sems.at[b]).wait()

    @pl.when(c == 0)
    def _():
        fetch_rows(0, 0)
        pc = lax.dot_general(x_ref[...], Wc_ref[...],
                             (((1,), (1,)), ((), ())),
                             preferred_element_type=jnp.float32)
        pclass_ref[...] = pc + bc_ref[...]

    @pl.when(c + 1 < pl.num_programs(0))
    def _():
        fetch_rows(c + 1, (c + 1) % 2)

    wait_rows(c, c % 2)
    d = rows_ref[c % 2, :P, :]
    w = Ww_ref[0]
    pw = lax.dot_general(d, w, (((1,), (1,)), ((), ())),
                         preferred_element_type=jnp.float32)
    pwords_ref[0] = pw + bw_ref[0]


def _tc_decode_dma(idx, x, Wc, bc2, Ww, bw3, nsteps=NCLS):
    grid_spec = pltpu.PrefetchScalarGridSpec(
        num_scalar_prefetch=1,
        grid=(nsteps,),
        in_specs=[
            pl.BlockSpec((T, NHID), lambda c, i_: (0, 0)),
            pl.BlockSpec(memory_space=pl.ANY),
            pl.BlockSpec((NCLS, NHID), lambda c, i_: (0, 0)),
            pl.BlockSpec((1, NCLS), lambda c, i_: (0, 0)),
            pl.BlockSpec((1, CHUNK, NHID), lambda c, i_: (c, 0, 0)),
            pl.BlockSpec((1, 1, CHUNK), lambda c, i_: (c, 0, 0)),
        ],
        out_specs=[
            pl.BlockSpec((T, NCLS), lambda c, i_: (0, 0)),
            pl.BlockSpec((1, P, CHUNK), lambda c, i_: (c, 0, 0)),
        ],
        scratch_shapes=[
            pltpu.VMEM((2, P, NHID), jnp.float32),
            pltpu.SemaphoreType.DMA((2,)),
        ],
    )
    return pl.pallas_call(
        _tcg_body,
        grid_spec=grid_spec,
        out_shape=[
            jax.ShapeDtypeStruct((T, NCLS), jnp.float32),
            jax.ShapeDtypeStruct((NCLS, P, CHUNK), jnp.float32),
        ],
    )(idx, x, x, Wc, bc2, Ww, bw3)


def _tc1_body(idx_ref, x_ref, Wc_ref, bc_ref, Ww_ref, bw_ref,
              pclass_ref, pwords_ref):
    c = pl.program_id(0)

    @pl.when(c == 0)
    def _():
        pc = lax.dot_general(x_ref[...], Wc_ref[...],
                             (((1,), (1,)), ((), ())),
                             preferred_element_type=jnp.float32)
        pclass_ref[...] = pc + bc_ref[...]

    rows = [x_ref[pl.ds(idx_ref[c, i], 1), :] for i in range(P)]
    d = jnp.concatenate(rows, axis=0)
    w = Ww_ref[0]
    pw = lax.dot_general(d, w, (((1,), (1,)), ((), ())),
                         preferred_element_type=jnp.float32)
    pwords_ref[0] = pw + bw_ref[0]


def _tc1(idx_lo, x, Wc, bc2, Ww, bw3):
    grid_spec = pltpu.PrefetchScalarGridSpec(
        num_scalar_prefetch=1,
        grid=(H,),
        in_specs=[
            pl.BlockSpec((T, NHID), lambda c, i_: (0, 0)),
            pl.BlockSpec((NCLS, NHID), lambda c, i_: (0, 0)),
            pl.BlockSpec((1, NCLS), lambda c, i_: (0, 0)),
            pl.BlockSpec((1, CHUNK, NHID), lambda c, i_: (c, 0, 0)),
            pl.BlockSpec((1, 1, CHUNK), lambda c, i_: (c, 0, 0)),
        ],
        out_specs=[
            pl.BlockSpec((T, NCLS), lambda c, i_: (0, 0)),
            pl.BlockSpec((1, P, CHUNK), lambda c, i_: (c, 0, 0)),
        ],
    )
    return pl.pallas_call(
        _tc1_body,
        grid_spec=grid_spec,
        out_shape=[
            jax.ShapeDtypeStruct((T, NCLS), jnp.float32),
            jax.ShapeDtypeStruct((NCLS, P, CHUNK), jnp.float32),
        ],
    )(idx_lo, x, Wc, bc2, Ww, bw3)


def _tc2_body(d_ref, Ww_ref, bw_ref, pw_in_ref, pwords_ref):
    d = d_ref[0, :P, :]
    w = Ww_ref[0]
    pw = lax.dot_general(d, w, (((1,), (1,)), ((), ())),
                         preferred_element_type=jnp.float32)
    pwords_ref[0] = pw + bw_ref[0]


def _tc2(d_hi, Ww, bw3, pw_partial):
    return pl.pallas_call(
        _tc2_body,
        grid=(NCLS - H,),
        in_specs=[
            pl.BlockSpec((1, POUT, NHID), lambda c: (c, 0, 0)),
            pl.BlockSpec((1, CHUNK, NHID), lambda c: (c + H, 0, 0)),
            pl.BlockSpec((1, 1, CHUNK), lambda c: (c + H, 0, 0)),
            pl.BlockSpec(memory_space=pl.ANY),
        ],
        out_specs=pl.BlockSpec((1, P, CHUNK), lambda c: (c + H, 0, 0)),
        out_shape=jax.ShapeDtypeStruct((NCLS, P, CHUNK), jnp.float32),
        input_output_aliases={3: 0},
    )(d_hi, Ww, bw3, pw_partial)


def kernel(x, within_batch_idx, Wc, bc, Ww, bw):
    idx32 = within_batch_idx.astype(jnp.int32)
    idx_hi = idx32[H:]
    idx_hi = jnp.pad(idx_hi, ((0, SLOTS * NW - NSC), (0, PPAD - P)))
    idx3 = idx_hi.reshape(SLOTS, NW, PPAD)
    bc2 = bc.reshape(1, NCLS)
    bw3 = bw.reshape(NCLS, 1, CHUNK)

    p_class, pw_partial = _tc_decode_dma(idx32, x, Wc, bc2, Ww, bw3, nsteps=H)
    d_hi = _sc_gather(x, idx3)
    p_words = _tc2(d_hi, Ww, bw3, pw_partial)
    return (p_class, p_words)

# --- scband reference (transcript-rebuilt; emitter-appended) ---
"""Pipeline reference for scband-class-based-decoder-71399536328749 (READ-ONLY COPY).

The authoritative reference and input builder live on the scoring server;
editing this copy changes nothing except your own understanding.
"""

import jax, jax.numpy as jnp
import numpy as np

T = 2048      # tokens (batch=1 x seq_len=2048)
NHID = 1024   # d_model
NCLS = 100    # number of classes
CHUNK = 1000  # words per class (vocab 100000 / 100)
P = 20        # tokens routed per class


def setup_inputs(seed: int = 0) -> dict:
    key = jax.random.key(seed)
    k1, k2, k3, k4 = jax.random.split(key, 4)
    x = jax.random.normal(k1, (T, NHID), dtype=jnp.float32)
    # dict-of-LongTensor in torch is represented here as a dense [NCLS, P] index matrix
    within_batch_idx = jax.random.randint(k2, (NCLS, P), 0, T, dtype=jnp.int64)
    # cls_decoder: Linear(nhid, ncls), init_weights uniform(-0.1, 0.1), bias 0
    Wc = jax.random.uniform(k3, (NCLS, NHID), minval=-0.1, maxval=0.1, dtype=jnp.float32)
    bc = jnp.zeros((NCLS,), dtype=jnp.float32)
    # words_decoders: NCLS x Linear(nhid, chunk)
    Ww = jax.random.uniform(k4, (NCLS, CHUNK, NHID), minval=-0.1, maxval=0.1, dtype=jnp.float32)
    bw = jnp.zeros((NCLS, CHUNK), dtype=jnp.float32)
    return {"x": x, "within_batch_idx": within_batch_idx, "Wc": Wc, "bc": bc, "Ww": Ww, "bw": bw}


def reference(x, within_batch_idx, Wc, bc, Ww, bw):
    # p_class = self.cls_decoder(input)
    p_class = x @ Wc.T + bc
    # for c in within_batch_idx: d = input.index_select(0, within_batch_idx[c]);
    #                            p_words[c] = self.words_decoders[c](d)
    # All classes have equal chunk size, so the per-class dict is stacked to [NCLS, P, CHUNK].
    d = jnp.take(x, within_batch_idx, axis=0)           # [NCLS, P, NHID] gather
    p_words = jnp.einsum('cpd,cvd->cpv', d, Ww) + bw[:, None, :]  # [NCLS, P, CHUNK]
    return (p_class, p_words)

if __name__ == "__main__":
    import jax
    _d = setup_inputs()
    print(jax.jit(kernel)(*tuple(_d.values())))

</pallas_src>

<mosaic_0001>
#map = affine_map<(d0, d1) -> (0, 0)>
#map1 = affine_map<(d0, d1) -> (0, 0, 0)>
module attributes {stable_mosaic.version = 14 : i64} {
  func.func @gather_k(%arg0: i32, %arg1: i32, %arg2: memref<2048x1024xf32, #tpu.memory_space<hbm>>, %arg3: memref<2x32x32xi32, #tpu.memory_space<hbm>>, %arg4: memref<50x24x1024xf32, #tpu.memory_space<hbm>>, %arg5: memref<2x32xi32, #tpu.memory_space<vmem>>, %arg6: memref<2x32x1024xf32, #tpu.memory_space<vmem>>, %arg7: memref<!tpu.dma_semaphore, #tpu.memory_space<semaphore_mem>>, %arg8: memref<!tpu.dma_semaphore, #tpu.memory_space<semaphore_mem>>, %arg9: memref<!tpu.dma_semaphore, #tpu.memory_space<semaphore_mem>>, %arg10: memref<!tpu.dma_semaphore, #tpu.memory_space<semaphore_mem>>) attributes {dimension_semantics = [#tpu.dimension_semantics<core_parallel>, #tpu.dimension_semantics<subcore_parallel>], iteration_bounds = array<i64: 2, 16>, scalar_prefetch = 0 : i64, scratch_operands = 6 : i64, tpu.core_type = #tpu.core_type<sc_vector_subcore>, window_params = [{transform_indices = #map}, {transform_indices = #map1}, {transform_indices = #map1}]} {
    %mul3A = arith.constant 2 : i32
    %mul3A_0 = arith.muli %arg1, %mul3A : i32
    %add3A = arith.addi %mul3A_0, %arg0 : i32
    "tpu.region"() ({
      %run_scoped3A = tpu.sem_alloc : memref<!tpu.dma_semaphore, #tpu.memory_space<semaphore_mem>>
      %dma_start3A = arith.constant 0 : i32
      %dma_start3A_40 = arith.constant 0 : i32
      %dma_start3A_41 = tpu.memref_slice %arg3[%dma_start3A, %add3A, %dma_start3A_40] : memref<2x32x32xi32, #tpu.memory_space<hbm>> -> memref<2x1x32xi32, #tpu.memory_space<hbm>>
      %dma_start3A_42 = tpu.memref_squeeze %dma_start3A_41 : memref<2x1x32xi32, #tpu.memory_space<hbm>> -> memref<2x32xi32, #tpu.memory_space<hbm>>
      %dma_start3A_43 = arith.constant 0 : i32
      %dma_start3A_44 = arith.constant 0 : i32
      %dma_start3A_45 = tpu.memref_slice %arg3[%dma_start3A_43, %add3A, %dma_start3A_44] : memref<2x32x32xi32, #tpu.memory_space<hbm>> -> memref<2x1x32xi32, #tpu.memory_space<hbm>>
      %dma_start3A_46 = tpu.memref_squeeze %dma_start3A_45 : memref<2x1x32xi32, #tpu.memory_space<hbm>> -> memref<2x32xi32, #tpu.memory_space<hbm>>
      tpu.enqueue_dma source(%dma_start3A_46 : memref<2x32xi32, #tpu.memory_space<hbm>>) target(%arg5 : memref<2x32xi32, #tpu.memory_space<vmem>>) target_semaphore(%run_scoped3A : memref<!tpu.dma_semaphore, #tpu.memory_space<semaphore_mem>>)
      %dma_wait3A = arith.constant 0 : i32
      %dma_wait3A_47 = arith.constant 0 : i32
      %dma_wait3A_48 = tpu.memref_slice %arg3[%dma_wait3A, %add3A, %dma_wait3A_47] : memref<2x32x32xi32, #tpu.memory_space<hbm>> -> memref<2x1x32xi32, #tpu.memory_space<hbm>>
      %dma_wait3A_49 = tpu.memref_squeeze %dma_wait3A_48 : memref<2x1x32xi32, #tpu.memory_space<hbm>> -> memref<2x32xi32, #tpu.memory_space<hbm>>
      %dma_wait3A_50 = arith.constant 0 : i32
      %dma_wait3A_51 = arith.constant 0 : i32
      %dma_wait3A_52 = tpu.memref_slice %arg3[%dma_wait3A_50, %add3A, %dma_wait3A_51] : memref<2x32x32xi32, #tpu.memory_space<hbm>> -> memref<2x1x32xi32, #tpu.memory_space<hbm>>
      %dma_wait3A_53 = tpu.memref_squeeze %dma_wait3A_52 : memref<2x1x32xi32, #tpu.memory_space<hbm>> -> memref<2x32xi32, #tpu.memory_space<hbm>>
      tpu.wait_dma2 semaphore(%run_scoped3A : memref<!tpu.dma_semaphore, #tpu.memory_space<semaphore_mem>>) src(%dma_wait3A_53 : memref<2x32xi32, #tpu.memory_space<hbm>>) dst(%arg5 : memref<2x32xi32, #tpu.memory_space<vmem>>)
      tpu.yield
    }) : () -> ()
    %add3A_1 = arith.constant 0 : i32
    %add3A_2 = arith.addi %add3A_1, %add3A : i32
    %lt3A = arith.constant 50 : i32
    %lt3A_3 = arith.cmpi slt, %add3A_2, %lt3A : i32
    %convert_element_type3A = arith.extui %lt3A_3 : i1 to i32
    %cond3A = arith.constant 0 : i32
    %cond3A_4 = arith.cmpi ne, %convert_element_type3A, %cond3A : i32
    scf.if %cond3A_4 {
      %dma_start3A = arith.constant 0 : i32
      %dma_start3A_40 = arith.constant 0 : i32
      %dma_start3A_41 = arith.constant 0 : i32
      %dma_start3A_42 = arith.constant 0 : i32
      %dma_start3A_43 = tpu.memref_slice %arg6[%dma_start3A_40, %dma_start3A_41, %dma_start3A_42] : memref<2x32x1024xf32, #tpu.memory_space<vmem>> -> memref<1x32x1024xf32, #tpu.memory_space<vmem>>
      %dma_start3A_44 = tpu.memref_squeeze %dma_start3A_43 : memref<1x32x1024xf32, #tpu.memory_space<vmem>> -> memref<32x1024xf32, #tpu.memory_space<vmem>>
      %dma_start3A_45 = arith.constant 0 : i32
      %dma_start3A_46 = tpu.memref_slice %arg5[%dma_start3A, %dma_start3A_45] : memref<2x32xi32, #tpu.memory_space<vmem>> -> memref<1x32xi32, #tpu.memory_space<vmem>>
      %dma_start3A_47 = tpu.memref_squeeze %dma_start3A_46 : memref<1x32xi32, #tpu.memory_space<vmem>> -> memref<32xi32, #tpu.memory_space<vmem>>
      %dma_start3A_48 = arith.constant 0 : i32
      %dma_start3A_49 = arith.constant 0 : i32
      %dma_start3A_50 = tpu.memref_slice %arg2[%dma_start3A_48, %dma_start3A_49] : memref<2048x1024xf32, #tpu.memory_space<hbm>> -> memref<2048x1024xf32, #tpu.memory_space<hbm>>
      tpu.enqueue_indirect_dma source(%dma_start3A_50 : memref<2048x1024xf32, #tpu.memory_space<hbm>>) target(%dma_start3A_44 : memref<32x1024xf32, #tpu.memory_space<vmem>>) offsets(%dma_start3A_47 : memref<32xi32, #tpu.memory_space<vmem>>) semaphore(%arg7 : memref<!tpu.dma_semaphore, #tpu.memory_space<semaphore_mem>>)
    } else {
    }
    %add3A_5 = arith.constant 32 : i32
    %add3A_6 = arith.addi %add3A_5, %add3A : i32
    %lt3A_7 = arith.constant 50 : i32
    %lt3A_8 = arith.cmpi slt, %add3A_6, %lt3A_7 : i32
    %convert_element_type3A_9 = arith.extui %lt3A_8 : i1 to i32
    %cond3A_10 = arith.constant 0 : i32
    %cond3A_11 = arith.cmpi ne, %convert_element_type3A_9, %cond3A_10 : i32
    scf.if %cond3A_11 {
      %dma_start3A = arith.constant 1 : i32
      %dma_start3A_40 = arith.constant 1 : i32
      %dma_start3A_41 = arith.constant 0 : i32
      %dma_start3A_42 = arith.constant 0 : i32
      %dma_start3A_43 = tpu.memref_slice %arg6[%dma_start3A_40, %dma_start3A_41, %dma_start3A_42] : memref<2x32x1024xf32, #tpu.memory_space<vmem>> -> memref<1x32x1024xf32, #tpu.memory_space<vmem>>
      %dma_start3A_44 = tpu.memref_squeeze %dma_start3A_43 : memref<1x32x1024xf32, #tpu.memory_space<vmem>> -> memref<32x1024xf32, #tpu.memory_space<vmem>>
      %dma_start3A_45 = arith.constant 0 : i32
      %dma_start3A_46 = tpu.memref_slice %arg5[%dma_start3A, %dma_start3A_45] : memref<2x32xi32, #tpu.memory_space<vmem>> -> memref<1x32xi32, #tpu.memory_space<vmem>>
      %dma_start3A_47 = tpu.memref_squeeze %dma_start3A_46 : memref<1x32xi32, #tpu.memory_space<vmem>> -> memref<32xi32, #tpu.memory_space<vmem>>
      %dma_start3A_48 = arith.constant 0 : i32
      %dma_start3A_49 = arith.constant 0 : i32
      %dma_start3A_50 = tpu.memref_slice %arg2[%dma_start3A_48, %dma_start3A_49] : memref<2048x1024xf32, #tpu.memory_space<hbm>> -> memref<2048x1024xf32, #tpu.memory_space<hbm>>
      tpu.enqueue_indirect_dma source(%dma_start3A_50 : memref<2048x1024xf32, #tpu.memory_space<hbm>>) target(%dma_start3A_44 : memref<32x1024xf32, #tpu.memory_space<vmem>>) offsets(%dma_start3A_47 : memref<32xi32, #tpu.memory_space<vmem>>) semaphore(%arg8 : memref<!tpu.dma_semaphore, #tpu.memory_space<semaphore_mem>>)
    } else {
    }
    %add3A_12 = arith.constant 0 : i32
    %add3A_13 = arith.addi %add3A_12, %add3A : i32
    %lt3A_14 = arith.constant 50 : i32
    %lt3A_15 = arith.cmpi slt, %add3A_13, %lt3A_14 : i32
    %convert_element_type3A_16 = arith.extui %lt3A_15 : i1 to i32
    %cond3A_17 = arith.constant 0 : i32
    %cond3A_18 = arith.cmpi ne, %convert_element_type3A_16, %cond3A_17 : i32
    scf.if %cond3A_18 {
      %dma_wait3A = arith.constant 0 : i32
      %dma_wait3A_40 = arith.constant 0 : i32
      %dma_wait3A_41 = arith.constant 0 : i32
      %dma_wait3A_42 = arith.constant 0 : i32
      %dma_wait3A_43 = tpu.memref_slice %arg6[%dma_wait3A_40, %dma_wait3A_41, %dma_wait3A_42] : memref<2x32x1024xf32, #tpu.memory_space<vmem>> -> memref<1x32x1024xf32, #tpu.memory_space<vmem>>
      %dma_wait3A_44 = tpu.memref_squeeze %dma_wait3A_43 : memref<1x32x1024xf32, #tpu.memory_space<vmem>> -> memref<32x1024xf32, #tpu.memory_space<vmem>>
      %dma_wait3A_45 = arith.constant 0 : i32
      %dma_wait3A_46 = tpu.memref_slice %arg5[%dma_wait3A, %dma_wait3A_45] : memref<2x32xi32, #tpu.memory_space<vmem>> -> memref<1x32xi32, #tpu.memory_space<vmem>>
      %dma_wait3A_47 = tpu.memref_squeeze %dma_wait3A_46 : memref<1x32xi32, #tpu.memory_space<vmem>> -> memref<32xi32, #tpu.memory_space<vmem>>
      %dma_wait3A_48 = arith.constant 0 : i32
      %dma_wait3A_49 = arith.constant 0 : i32
      %dma_wait3A_50 = tpu.memref_slice %arg2[%dma_wait3A_48, %dma_wait3A_49] : memref<2048x1024xf32, #tpu.memory_space<hbm>> -> memref<2048x1024xf32, #tpu.memory_space<hbm>>
      tpu.wait_indirect_dma semaphore(%arg7 : memref<!tpu.dma_semaphore, #tpu.memory_space<semaphore_mem>>) src(%dma_wait3A_50 : memref<2048x1024xf32, #tpu.memory_space<hbm>>) dst(%dma_wait3A_44 : memref<32x1024xf32, #tpu.memory_space<vmem>>)
      %add3A_51 = arith.constant 0 : i32
      %add3A_52 = arith.addi %add3A_51, %add3A : i32
      %dma_start3A = arith.constant 0 : i32
      %dma_start3A_53 = arith.constant 0 : i32
      %dma_start3A_54 = arith.constant 0 : i32
      %dma_start3A_55 = tpu.memref_slice %arg6[%dma_start3A, %dma_start3A_53, %dma_start3A_54] : memref<2x32x1024xf32, #tpu.memory_space<vmem>> -> memref<1x24x1024xf32, #tpu.memory_space<vmem>>
      %dma_start3A_56 = tpu.memref_squeeze %dma_start3A_55 : memref<1x24x1024xf32, #tpu.memory_space<vmem>> -> memref<24x1024xf32, #tpu.memory_space<vmem>>
      %dma_start3A_57 = arith.constant 0 : i32
      %dma_start3A_58 = arith.constant 0 : i32
      %dma_start3A_59 = tpu.memref_slice %arg4[%add3A_52, %dma_start3A_57, %dma_start3A_58] : memref<50x24x1024xf32, #tpu.memory_space<hbm>> -> memref<1x24x1024xf32, #tpu.memory_space<hbm>>
      %dma_start3A_60 = tpu.memref_squeeze %dma_start3A_59 : memref<1x24x1024xf32, #tpu.memory_space<hbm>> -> memref<24x1024xf32, #tpu.memory_space<hbm>>
      %dma_start3A_61 = arith.constant 0 : i32
      %dma_start3A_62 = arith.constant 0 : i32
      %dma_start3A_63 = tpu.memref_slice %arg4[%add3A_52, %dma_start3A_61, %dma_start3A_62] : memref<50x24x1024xf32, #tpu.memory_space<hbm>> -> memref<1x24x1024xf32, #tpu.memory_space<hbm>>
      %dma_start3A_64 = tpu.memref_squeeze %dma_start3A_63 : memref<1x24x1024xf32, #tpu.memory_space<hbm>> -> memref<24x1024xf32, #tpu.memory_space<hbm>>
      %dma_start3A_65 = arith.constant 0 : i32
      %dma_start3A_66 = arith.constant 0 : i32
      %dma_start3A_67 = tpu.memref_slice %arg6[%dma_start3A, %dma_start3A_65, %dma_start3A_66] : memref<2x32x1024xf32, #tpu.memory_space<vmem>> -> memref<1x24x1024xf32, #tpu.memory_space<vmem>>
      %dma_start3A_68 = tpu.memref_squeeze %dma_start3A_67 : memref<1x24x1024xf32, #tpu.memory_space<vmem>> -> memref<24x1024xf32, #tpu.memory_space<vmem>>
      tpu.enqueue_dma source(%dma_start3A_68 : memref<24x1024xf32, #tpu.memory_space<vmem>>) target(%dma_start3A_64 : memref<24x1024xf32, #tpu.memory_space<hbm>>) target_semaphore(%arg9 : memref<!tpu.dma_semaphore, #tpu.memory_space<semaphore_mem>>)
    } else {
    }
    %add3A_19 = arith.constant 32 : i32
    %add3A_20 = arith.addi %add3A_19, %add3A : i32
    %lt3A_21 = arith.constant 50 : i32
    %lt3A_22 = arith.cmpi slt, %add3A_20, %lt3A_21 : i32
    %convert_element_type3A_23 = arith.extui %lt3A_22 : i1 to i32
    %cond3A_24 = arith.constant 0 : i32
    %cond3A_25 = arith.cmpi ne, %convert_element_type3A_23, %cond3A_24 : i32
    scf.if %cond3A_25 {
      %dma_wait3A = arith.constant 1 : i32
      %dma_wait3A_40 = arith.constant 1 : i32
      %dma_wait3A_41 = arith.constant 0 : i32
      %dma_wait3A_42 = arith.constant 0 : i32
      %dma_wait3A_43 = tpu.memref_slice %arg6[%dma_wait3A_40, %dma_wait3A_41, %dma_wait3A_42] : memref<2x32x1024xf32, #tpu.memory_space<vmem>> -> memref<1x32x1024xf32, #tpu.memory_space<vmem>>
      %dma_wait3A_44 = tpu.memref_squeeze %dma_wait3A_43 : memref<1x32x1024xf32, #tpu.memory_space<vmem>> -> memref<32x1024xf32, #tpu.memory_space<vmem>>
      %dma_wait3A_45 = arith.constant 0 : i32
      %dma_wait3A_46 = tpu.memref_slice %arg5[%dma_wait3A, %dma_wait3A_45] : memref<2x32xi32, #tpu.memory_space<vmem>> -> memref<1x32xi32, #tpu.memory_space<vmem>>
      %dma_wait3A_47 = tpu.memref_squeeze %dma_wait3A_46 : memref<1x32xi32, #tpu.memory_space<vmem>> -> memref<32xi32, #tpu.memory_space<vmem>>
      %dma_wait3A_48 = arith.constant 0 : i32
      %dma_wait3A_49 = arith.constant 0 : i32
      %dma_wait3A_50 = tpu.memref_slice %arg2[%dma_wait3A_48, %dma_wait3A_49] : memref<2048x1024xf32, #tpu.memory_space<hbm>> -> memref<2048x1024xf32, #tpu.memory_space<hbm>>
      tpu.wait_indirect_dma semaphore(%arg8 : memref<!tpu.dma_semaphore, #tpu.memory_space<semaphore_mem>>) src(%dma_wait3A_50 : memref<2048x1024xf32, #tpu.memory_space<hbm>>) dst(%dma_wait3A_44 : memref<32x1024xf32, #tpu.memory_space<vmem>>)
      %add3A_51 = arith.constant 32 : i32
      %add3A_52 = arith.addi %add3A_51, %add3A : i32
      %dma_start3A = arith.constant 1 : i32
      %dma_start3A_53 = arith.constant 0 : i32
      %dma_start3A_54 = arith.constant 0 : i32
      %dma_start3A_55 = tpu.memref_slice %arg6[%dma_start3A, %dma_start3A_53, %dma_start3A_54] : memref<2x32x1024xf32, #tpu.memory_space<vmem>> -> memref<1x24x1024xf32, #tpu.memory_space<vmem>>
      %dma_start3A_56 = tpu.memref_squeeze %dma_start3A_55 : memref<1x24x1024xf32, #tpu.memory_space<vmem>> -> memref<24x1024xf32, #tpu.memory_space<vmem>>
      %dma_start3A_57 = arith.constant 0 : i32
      %dma_start3A_58 = arith.constant 0 : i32
      %dma_start3A_59 = tpu.memref_slice %arg4[%add3A_52, %dma_start3A_57, %dma_start3A_58] : memref<50x24x1024xf32, #tpu.memory_space<hbm>> -> memref<1x24x1024xf32, #tpu.memory_space<hbm>>
      %dma_start3A_60 = tpu.memref_squeeze %dma_start3A_59 : memref<1x24x1024xf32, #tpu.memory_space<hbm>> -> memref<24x1024xf32, #tpu.memory_space<hbm>>
      %dma_start3A_61 = arith.constant 0 : i32
      %dma_start3A_62 = arith.constant 0 : i32
      %dma_start3A_63 = tpu.memref_slice %arg4[%add3A_52, %dma_start3A_61, %dma_start3A_62] : memref<50x24x1024xf32, #tpu.memory_space<hbm>> -> memref<1x24x1024xf32, #tpu.memory_space<hbm>>
      %dma_start3A_64 = tpu.memref_squeeze %dma_start3A_63 : memref<1x24x1024xf32, #tpu.memory_space<hbm>> -> memref<24x1024xf32, #tpu.memory_space<hbm>>
      %dma_start3A_65 = arith.constant 0 : i32
      %dma_start3A_66 = arith.constant 0 : i32
      %dma_start3A_67 = tpu.memref_slice %arg6[%dma_start3A, %dma_start3A_65, %dma_start3A_66] : memref<2x32x1024xf32, #tpu.memory_space<vmem>> -> memref<1x24x1024xf32, #tpu.memory_space<vmem>>
      %dma_start3A_68 = tpu.memref_squeeze %dma_start3A_67 : memref<1x24x1024xf32, #tpu.memory_space<vmem>> -> memref<24x1024xf32, #tpu.memory_space<vmem>>
      tpu.enqueue_dma source(%dma_start3A_68 : memref<24x1024xf32, #tpu.memory_space<vmem>>) target(%dma_start3A_64 : memref<24x1024xf32, #tpu.memory_space<hbm>>) target_semaphore(%arg10 : memref<!tpu.dma_semaphore, #tpu.memory_space<semaphore_mem>>)
    } else {
    }
    %add3A_26 = arith.constant 0 : i32
    %add3A_27 = arith.addi %add3A_26, %add3A : i32
    %lt3A_28 = arith.constant 50 : i32
    %lt3A_29 = arith.cmpi slt, %add3A_27, %lt3A_28 : i32
    %convert_element_type3A_30 = arith.extui %lt3A_29 : i1 to i32
    %cond3A_31 = arith.constant 0 : i32
    %cond3A_32 = arith.cmpi ne, %convert_element_type3A_30, %cond3A_31 : i32
    scf.if %cond3A_32 {
      %add3A_40 = arith.constant 0 : i32
      %add3A_41 = arith.addi %add3A_40, %add3A : i32
      %dma_wait3A = arith.constant 0 : i32
      %dma_wait3A_42 = arith.constant 0 : i32
      %dma_wait3A_43 = arith.constant 0 : i32
      %dma_wait3A_44 = tpu.memref_slice %arg6[%dma_wait3A, %dma_wait3A_42, %dma_wait3A_43] : memref<2x32x1024xf32, #tpu.memory_space<vmem>> -> memref<1x24x1024xf32, #tpu.memory_space<vmem>>
      %dma_wait3A_45 = tpu.memref_squeeze %dma_wait3A_44 : memref<1x24x1024xf32, #tpu.memory_space<vmem>> -> memref<24x1024xf32, #tpu.memory_space<vmem>>
      %dma_wait3A_46 = arith.constant 0 : i32
      %dma_wait3A_47 = arith.constant 0 : i32
      %dma_wait3A_48 = tpu.memref_slice %arg4[%add3A_41, %dma_wait3A_46, %dma_wait3A_47] : memref<50x24x1024xf32, #tpu.memory_space<hbm>> -> memref<1x24x1024xf32, #tpu.memory_space<hbm>>
      %dma_wait3A_49 = tpu.memref_squeeze %dma_wait3A_48 : memref<1x24x1024xf32, #tpu.memory_space<hbm>> -> memref<24x1024xf32, #tpu.memory_space<hbm>>
      %dma_wait3A_50 = arith.constant 0 : i32
      %dma_wait3A_51 = arith.constant 0 : i32
      %dma_wait3A_52 = tpu.memref_slice %arg4[%add3A_41, %dma_wait3A_50, %dma_wait3A_51] : memref<50x24x1024xf32, #tpu.memory_space<hbm>> -> memref<1x24x1024xf32, #tpu.memory_space<hbm>>
      %dma_wait3A_53 = tpu.memref_squeeze %dma_wait3A_52 : memref<1x24x1024xf32, #tpu.memory_space<hbm>> -> memref<24x1024xf32, #tpu.memory_space<hbm>>
      %dma_wait3A_54 = arith.constant 0 : i32
      %dma_wait3A_55 = arith.constant 0 : i32
      %dma_wait3A_56 = tpu.memref_slice %arg6[%dma_wait3A, %dma_wait3A_54, %dma_wait3A_55] : memref<2x32x1024xf32, #tpu.memory_space<vmem>> -> memref<1x24x1024xf32, #tpu.memory_space<vmem>>
      %dma_wait3A_57 = tpu.memref_squeeze %dma_wait3A_56 : memref<1x24x1024xf32, #tpu.memory_space<vmem>> -> memref<24x1024xf32, #tpu.memory_space<vmem>>
      tpu.wait_dma2 semaphore(%arg9 : memref<!tpu.dma_semaphore, #tpu.memory_space<semaphore_mem>>) src(%dma_wait3A_57 : memref<24x1024xf32, #tpu.memory_space<vmem>>) dst(%dma_wait3A_53 : memref<24x1024xf32, #tpu.memory_space<hbm>>)
    } else {
    }
    %add3A_33 = arith.constant 32 : i32
    %add3A_34 = arith.addi %add3A_33, %add3A : i32
    %lt3A_35 = arith.constant 50 : i32
    %lt3A_36 = arith.cmpi slt, %add3A_34, %lt3A_35 : i32
    %convert_element_type3A_37 = arith.extui %lt3A_36 : i1 to i32
    %cond3A_38 = arith.constant 0 : i32
    %cond3A_39 = arith.cmpi ne, %convert_element_type3A_37, %cond3A_38 : i32
    scf.if %cond3A_39 {
      %add3A_40 = arith.constant 32 : i32
      %add3A_41 = arith.addi %add3A_40, %add3A : i32
      %dma_wait3A = arith.constant 1 : i32
      %dma_wait3A_42 = arith.constant 0 : i32
      %dma_wait3A_43 = arith.constant 0 : i32
      %dma_wait3A_44 = tpu.memref_slice %arg6[%dma_wait3A, %dma_wait3A_42, %dma_wait3A_43] : memref<2x32x1024xf32, #tpu.memory_space<vmem>> -> memref<1x24x1024xf32, #tpu.memory_space<vmem>>
      %dma_wait3A_45 = tpu.memref_squeeze %dma_wait3A_44 : memref<1x24x1024xf32, #tpu.memory_space<vmem>> -> memref<24x1024xf32, #tpu.memory_space<vmem>>
      %dma_wait3A_46 = arith.constant 0 : i32
      %dma_wait3A_47 = arith.constant 0 : i32
      %dma_wait3A_48 = tpu.memref_slice %arg4[%add3A_41, %dma_wait3A_46, %dma_wait3A_47] : memref<50x24x1024xf32, #tpu.memory_space<hbm>> -> memref<1x24x1024xf32, #tpu.memory_space<hbm>>
      %dma_wait3A_49 = tpu.memref_squeeze %dma_wait3A_48 : memref<1x24x1024xf32, #tpu.memory_space<hbm>> -> memref<24x1024xf32, #tpu.memory_space<hbm>>
      %dma_wait3A_50 = arith.constant 0 : i32
      %dma_wait3A_51 = arith.constant 0 : i32
      %dma_wait3A_52 = tpu.memref_slice %arg4[%add3A_41, %dma_wait3A_50, %dma_wait3A_51] : memref<50x24x1024xf32, #tpu.memory_space<hbm>> -> memref<1x24x1024xf32, #tpu.memory_space<hbm>>
      %dma_wait3A_53 = tpu.memref_squeeze %dma_wait3A_52 : memref<1x24x1024xf32, #tpu.memory_space<hbm>> -> memref<24x1024xf32, #tpu.memory_space<hbm>>
      %dma_wait3A_54 = arith.constant 0 : i32
      %dma_wait3A_55 = arith.constant 0 : i32
      %dma_wait3A_56 = tpu.memref_slice %arg6[%dma_wait3A, %dma_wait3A_54, %dma_wait3A_55] : memref<2x32x1024xf32, #tpu.memory_space<vmem>> -> memref<1x24x1024xf32, #tpu.memory_space<vmem>>
      %dma_wait3A_57 = tpu.memref_squeeze %dma_wait3A_56 : memref<1x24x1024xf32, #tpu.memory_space<vmem>> -> memref<24x1024xf32, #tpu.memory_space<vmem>>
      tpu.wait_dma2 semaphore(%arg10 : memref<!tpu.dma_semaphore, #tpu.memory_space<semaphore_mem>>) src(%dma_wait3A_57 : memref<24x1024xf32, #tpu.memory_space<vmem>>) dst(%dma_wait3A_53 : memref<24x1024xf32, #tpu.memory_space<hbm>>)
    } else {
    }
    return
  }
}

module attributes {stable_mosaic.version = 14 : i64} {
  func.func @_tc2_body(%arg0: i32, %arg1: memref<1x24x1024xf32, #tpu.memory_space<vmem>>, %arg2: memref<1x1000x1024xf32, #tpu.memory_space<vmem>>, %arg3: memref<1x1x1000xf32, #tpu.memory_space<vmem>>, %arg4: memref<100x20x1000xf32, #tpu.memory_space<any>>, %arg5: memref<1x20x1000xf32, #tpu.memory_space<vmem>>) attributes {dimension_semantics = [#tpu.dimension_semantics<arbitrary>], iteration_bounds = array<i64: 50>, scalar_prefetch = 0 : i64, scratch_operands = 0 : i64, tpu.core_type = #tpu.core_type<tc>, window_params = [{transform_indices = @transform_0, window_bounds = array<i64: 1, 24, 1024>}, {transform_indices = @transform_1, window_bounds = array<i64: 1, 1000, 1024>}, {transform_indices = @transform_2, window_bounds = array<i64: 1, 1, 1000>}, {}, {transform_indices = @transform_4, window_bounds = array<i64: 1, 20, 1000>}]} {
    %get3A = arith.constant 0 : index
    %get3A_0 = arith.constant 0 : index
    %get3A_1 = arith.constant 0 : index
    %get3A_2 = vector.load %arg1[%get3A, %get3A_0, %get3A_1] : memref<1x24x1024xf32, #tpu.memory_space<vmem>>, vector<1x20x1024xf32>
    %get3A_3 = vector.shape_cast %get3A_2 : vector<1x20x1024xf32> to vector<20x1024xf32>
    %get3A_4 = arith.constant 0 : index
    %get3A_5 = arith.constant 0 : index
    %get3A_6 = arith.constant 0 : index
    %get3A_7 = vector.load %arg2[%get3A_4, %get3A_5, %get3A_6] : memref<1x1000x1024xf32, #tpu.memory_space<vmem>>, vector<1x1000x1024xf32>
    %get3A_8 = vector.shape_cast %get3A_7 : vector<1x1000x1024xf32> to vector<1000x1024xf32>
    %dot_general3A = arith.constant dense<0.000000e+00> : vector<20x1000xf32>
    %dot_general3A_9 = tpu.matmul %get3A_3, %get3A_8, %dot_general3A {dimension_numbers = #tpu.dot_dimension_numbers<[1], [1], [0], [0], [0, 0, 1, 0], [], []>, transpose_lhs_hint = false} : vector<20x1024xf32>, vector<1000x1024xf32>, vector<20x1000xf32> -> vector<20x1000xf32>
    %get3A_10 = arith.constant 0 : index
    %get3A_11 = arith.constant 0 : index
    %get3A_12 = arith.constant 0 : index
    %get3A_13 = vector.load %arg3[%get3A_10, %get3A_11, %get3A_12] : memref<1x1x1000xf32, #tpu.memory_space<vmem>>, vector<1x1x1000xf32>
    %get3A_14 = vector.shape_cast %get3A_13 : vector<1x1x1000xf32> to vector<1x1000xf32>
    %add3A = vector.broadcast %get3A_14 : vector<1x1000xf32> to vector<20x1000xf32>
    %add3A_15 = arith.addf %dot_general3A_9, %add3A : vector<20x1000xf32>
    %swap3A = arith.constant 0 : index
    %swap3A_16 = arith.constant 0 : index
    %swap3A_17 = arith.constant 0 : index
    %swap3A_18 = vector.load %arg5[%swap3A, %swap3A_16, %swap3A_17] : memref<1x20x1000xf32, #tpu.memory_space<vmem>>, vector<1x20x1000xf32>
    %swap3A_19 = vector.shape_cast %swap3A_18 : vector<1x20x1000xf32> to vector<20x1000xf32>
    %swap3A_20 = vector.shape_cast %add3A_15 : vector<20x1000xf32> to vector<1x20x1000xf32>
    tpu.vector_store %arg5[%swap3A, %swap3A_16, %swap3A_17], %swap3A_20 {strides = array<i32>} : memref<1x20x1000xf32, #tpu.memory_space<vmem>>, vector<1x20x1000xf32>,
    return
  }
  func.func @transform_0(%arg0: i32) -> (i32, i32, i32) {
    %c0_i32 = arith.constant 0 : i32
    %c0_i32_0 = arith.constant 0 : i32
    %c0_i32_1 = arith.constant 0 : i32
    return %arg0, %c0_i32, %c0_i32_0 : i32, i32, i32
  }
  func.func @transform_1(%arg0: i32) -> (i32, i32, i32) {
    %add3A = arith.constant 50 : i32
    %add3A_0 = arith.addi %arg0, %add3A : i32
    %c0_i32 = arith.constant 0 : i32
    %c0_i32_1 = arith.constant 0 : i32
    %c0_i32_2 = arith.constant 0 : i32
    return %add3A_0, %c0_i32, %c0_i32_1 : i32, i32, i32
  }
  func.func @transform_2(%arg0: i32) -> (i32, i32, i32) {
    %add3A = arith.constant 50 : i32
    %add3A_0 = arith.addi %arg0, %add3A : i32
    %c0_i32 = arith.constant 0 : i32
    %c0_i32_1 = arith.constant 0 : i32
    %c0_i32_2 = arith.constant 0 : i32
    return %add3A_0, %c0_i32, %c0_i32_1 : i32, i32, i32
  }
  func.func @transform_4(%arg0: i32) -> (i32, i32, i32) {
    %add3A = arith.constant 50 : i32
    %add3A_0 = arith.addi %arg0, %add3A : i32
    %c0_i32 = arith.constant 0 : i32
    %c0_i32_1 = arith.constant 0 : i32
    %c0_i32_2 = arith.constant 0 : i32
    return %add3A_0, %c0_i32, %c0_i32_1 : i32, i32, i32
  }
}

module attributes {stable_mosaic.version = 14 : i64} {
  func.func @_tcg_body(%arg0: i32, %arg1: memref<100x20xi32, #tpu.memory_space<smem>>, %arg2: memref<2048x1024xf32, #tpu.memory_space<vmem>>, %arg3: memref<2048x1024xf32, #tpu.memory_space<any>>, %arg4: memref<100x1024xf32, #tpu.memory_space<vmem>>, %arg5: memref<1x100xf32, #tpu.memory_space<vmem>>, %arg6: memref<1x1000x1024xf32, #tpu.memory_space<vmem>>, %arg7: memref<1x1x1000xf32, #tpu.memory_space<vmem>>, %arg8: memref<2048x100xf32, #tpu.memory_space<vmem>>, %arg9: memref<1x20x1000xf32, #tpu.memory_space<vmem>>, %arg10: memref<2x20x1024xf32, #tpu.memory_space<vmem>>, %arg11: memref<2x!tpu.dma_semaphore, #tpu.memory_space<semaphore_mem>>) attributes {dimension_semantics = [#tpu.dimension_semantics<arbitrary>], iteration_bounds = array<i64: 50>, scalar_prefetch = 1 : i64, scratch_operands = 2 : i64, tpu.core_type = #tpu.core_type<tc>, window_params = [{pipeline_mode = #tpu.pipeline_mode<synchronous>, transform_indices = @transform_0, window_bounds = array<i64: 2048, 1024>}, {}, {pipeline_mode = #tpu.pipeline_mode<synchronous>, transform_indices = @transform_2, window_bounds = array<i64: 100, 1024>}, {pipeline_mode = #tpu.pipeline_mode<synchronous>, transform_indices = @transform_3, window_bounds = array<i64: 1, 100>}, {transform_indices = @transform_4, window_bounds = array<i64: 1, 1000, 1024>}, {transform_indices = @transform_5, window_bounds = array<i64: 1, 1, 1000>}, {pipeline_mode = #tpu.pipeline_mode<synchronous>, transform_indices = @transform_6, window_bounds = array<i64: 2048, 100>}, {transform_indices = @transform_7, window_bounds = array<i64: 1, 20, 1000>}]} {
    %eq3A = arith.constant 0 : i32
    %eq3A_0 = arith.cmpi eq, %arg0, %eq3A : i32
    %convert_element_type3A = arith.extui %eq3A_0 : i1 to i32
    %cond3A = arith.constant 0 : i32
    %cond3A_1 = arith.cmpi ne, %convert_element_type3A, %cond3A : i32
    scf.if %cond3A_1 {
      %get3A_275 = arith.constant 0 : index
      %get3A_276 = arith.constant 0 : index
      %get3A_277 = memref.load %arg1[%get3A_275, %get3A_276] : memref<100x20xi32, #tpu.memory_space<smem>>
      %dma_start3A = arith.constant 0 : i32
      %dma_start3A_278 = arith.constant 0 : i32
      %dma_start3A_279 = tpu.memref_slice %arg11[%dma_start3A_278] : memref<2x!tpu.dma_semaphore, #tpu.memory_space<semaphore_mem>> -> memref<1x!tpu.dma_semaphore, #tpu.memory_space<semaphore_mem>>
      %dma_start3A_280 = tpu.memref_squeeze %dma_start3A_279 : memref<1x!tpu.dma_semaphore, #tpu.memory_space<semaphore_mem>> -> memref<!tpu.dma_semaphore, #tpu.memory_space<semaphore_mem>>
      %dma_start3A_281 = arith.constant 0 : i32
      %dma_start3A_282 = arith.constant 0 : i32
      %dma_start3A_283 = tpu.memref_slice %arg10[%dma_start3A, %dma_start3A_281, %dma_start3A_282] : memref<2x20x1024xf32, #tpu.memory_space<vmem>> -> memref<1x1x1024xf32, #tpu.memory_space<vmem>>
      %dma_start3A_284 = tpu.memref_squeeze %dma_start3A_283 : memref<1x1x1024xf32, #tpu.memory_space<vmem>> -> memref<1x1024xf32, #tpu.memory_space<vmem>>
      %dma_start3A_285 = arith.constant 0 : i32
      %dma_start3A_286 = tpu.memref_slice %arg3[%get3A_277, %dma_start3A_285] : memref<2048x1024xf32, #tpu.memory_space<any>> -> memref<1x1024xf32, #tpu.memory_space<any>>
      tpu.enqueue_dma source(%dma_start3A_286 : memref<1x1024xf32, #tpu.memory_space<any>>) target(%dma_start3A_284 : memref<1x1024xf32, #tpu.memory_space<vmem>>) target_semaphore(%dma_start3A_280 : memref<!tpu.dma_semaphore, #tpu.memory_space<semaphore_mem>>)
      %get3A_287 = arith.constant 0 : index
      %get3A_288 = arith.constant 1 : index
      %get3A_289 = memref.load %arg1[%get3A_287, %get3A_288] : memref<100x20xi32, #tpu.memory_space<smem>>
      %dma_start3A_290 = arith.constant 0 : i32
      %dma_start3A_291 = arith.constant 0 : i32
      %dma_start3A_292 = tpu.memref_slice %arg11[%dma_start3A_291] : memref<2x!tpu.dma_semaphore, #tpu.memory_space<semaphore_mem>> -> memref<1x!tpu.dma_semaphore, #tpu.memory_space<semaphore_mem>>
      %dma_start3A_293 = tpu.memref_squeeze %dma_start3A_292 : memref<1x!tpu.dma_semaphore, #tpu.memory_space<semaphore_mem>> -> memref<!tpu.dma_semaphore, #tpu.memory_space<semaphore_mem>>
      %dma_start3A_294 = arith.constant 1 : i32
      %dma_start3A_295 = arith.constant 0 : i32
      %dma_start3A_296 = tpu.memref_slice %arg10[%dma_start3A_290, %dma_start3A_294, %dma_start3A_295] : memref<2x20x1024xf32, #tpu.memory_space<vmem>> -> memref<1x1x1024xf32, #tpu.memory_space<vmem>>
      %dma_start3A_297 = tpu.memref_squeeze %dma_start3A_296 : memref<1x1x1024xf32, #tpu.memory_space<vmem>> -> memref<1x1024xf32, #tpu.memory_space<vmem>>
      %dma_start3A_298 = arith.constant 0 : i32
      %dma_start3A_299 = tpu.memref_slice %arg3[%get3A_289, %dma_start3A_298] : memref<2048x1024xf32, #tpu.memory_space<any>> -> memref<1x1024xf32, #tpu.memory_space<any>>
      tpu.enqueue_dma source(%dma_start3A_299 : memref<1x1024xf32, #tpu.memory_space<any>>) target(%dma_start3A_297 : memref<1x1024xf32, #tpu.memory_space<vmem>>) target_semaphore(%dma_start3A_293 : memref<!tpu.dma_semaphore, #tpu.memory_space<semaphore_mem>>)
      %get3A_300 = arith.constant 0 : index
      %get3A_301 = arith.constant 2 : index
      %get3A_302 = memref.load %arg1[%get3A_300, %get3A_301] : memref<100x20xi32, #tpu.memory_space<smem>>
      %dma_start3A_303 = arith.constant 0 : i32
      %dma_start3A_304 = arith.constant 0 : i32
      %dma_start3A_305 = tpu.memref_slice %arg11[%dma_start3A_304] : memref<2x!tpu.dma_semaphore, #tpu.memory_space<semaphore_mem>> -> memref<1x!tpu.dma_semaphore, #tpu.memory_space<semaphore_mem>>
      %dma_start3A_306 = tpu.memref_squeeze %dma_start3A_305 : memref<1x!tpu.dma_semaphore, #tpu.memory_space<semaphore_mem>> -> memref<!tpu.dma_semaphore, #tpu.memory_space<semaphore_mem>>
      %dma_start3A_307 = arith.constant 2 : i32
      %dma_start3A_308 = arith.constant 0 : i32
      %dma_start3A_309 = tpu.memref_slice %arg10[%dma_start3A_303, %dma_start3A_307, %dma_start3A_308] : memref<2x20x1024xf32, #tpu.memory_space<vmem>> -> memref<1x1x1024xf32, #tpu.memory_space<vmem>>
      %dma_start3A_310 = tpu.memref_squeeze %dma_start3A_309 : memref<1x1x1024xf32, #tpu.memory_space<vmem>> -> memref<1x1024xf32, #tpu.memory_space<vmem>>
      %dma_start3A_311 = arith.constant 0 : i32
      %dma_start3A_312 = tpu.memref_slice %arg3[%get3A_302, %dma_start3A_311] : memref<2048x1024xf32, #tpu.memory_space<any>> -> memref<1x1024xf32, #tpu.memory_space<any>>
      tpu.enqueue_dma source(%dma_start3A_312 : memref<1x1024xf32, #tpu.memory_space<any>>) target(%dma_start3A_310 : memref<1x1024xf32, #tpu.memory_space<vmem>>) target_semaphore(%dma_start3A_306 : memref<!tpu.dma_semaphore, #tpu.memory_space<semaphore_mem>>)
      %get3A_313 = arith.constant 0 : index
      %get3A_314 = arith.constant 3 : index
      %get3A_315 = memref.load %arg1[%get3A_313, %get3A_314] : memref<100x20xi32, #tpu.memory_space<smem>>
      %dma_start3A_316 = arith.constant 0 : i32
      %dma_start3A_317 = arith.constant 0 : i32
      %dma_start3A_318 = tpu.memref_slice %arg11[%dma_start3A_317] : memref<2x!tpu.dma_semaphore, #tpu.memory_space<semaphore_mem>> -> memref<1x!tpu.dma_semaphore, #tpu.memory_space<semaphore_mem>>
      %dma_start3A_319 = tpu.memref_squeeze %dma_start3A_318 : memref<1x!tpu.dma_semaphore, #tpu.memory_space<semaphore_mem>> -> memref<!tpu.dma_semaphore, #tpu.memory_space<semaphore_mem>>
      %dma_start3A_320 = arith.constant 3 : i32
      %dma_start3A_321 = arith.constant 0 : i32
      %dma_start3A_322 = tpu.memref_slice %arg10[%dma_start3A_316, %dma_start3A_320, %dma_start3A_321] : memref<2x20x1024xf32, #tpu.memory_space<vmem>> -> memref<1x1x1024xf32, #tpu.memory_space<vmem>>
      %dma_start3A_323 = tpu.memref_squeeze %dma_start3A_322 : memref<1x1x1024xf32, #tpu.memory_space<vmem>> -> memref<1x1024xf32, #tpu.memory_space<vmem>>
      %dma_start3A_324 = arith.constant 0 : i32
      %dma_start3A_325 = tpu.memref_slice %arg3[%get3A_315, %dma_start3A_324] : memref<2048x1024xf32, #tpu.memory_space<any>> -> memref<1x1024xf32, #tpu.memory_space<any>>
      tpu.enqueue_dma source(%dma_start3A_325 : memref<1x1024xf32, #tpu.memory_space<any>>) target(%dma_start3A_323 : memref<1x1024xf32, #tpu.memory_space<vmem>>) target_semaphore(%dma_start3A_319 : memref<!tpu.dma_semaphore, #tpu.memory_space<semaphore_mem>>)
      %get3A_326 = arith.constant 0 : index
      %get3A_327 = arith.constant 4 : index
      %get3A_328 = memref.load %arg1[%get3A_326, %get3A_327] : memref<100x20xi32, #tpu.memory_space<smem>>
      %dma_start3A_329 = arith.constant 0 : i32
      %dma_start3A_330 = arith.constant 0 : i32
      %dma_start3A_331 = tpu.memref_slice %arg11[%dma_start3A_330] : memref<2x!tpu.dma_semaphore, #tpu.memory_space<semaphore_mem>> -> memref<1x!tpu.dma_semaphore, #tpu.memory_space<semaphore_mem>>
      %dma_start3A_332 = tpu.memref_squeeze %dma_start3A_331 : memref<1x!tpu.dma_semaphore, #tpu.memory_space<semaphore_mem>> -> memref<!tpu.dma_semaphore, #tpu.memory_space<semaphore_mem>>
      %dma_start3A_333 = arith.constant 4 : i32
      %dma_start3A_334 = arith.constant 0 : i32
      %dma_start3A_335 = tpu.memref_slice %arg10[%dma_start3A_329, %dma_start3A_333, %dma_start3A_334] : memref<2x20x1024xf32, #tpu.memory_space<vmem>> -> memref<1x1x1024xf32, #tpu.memory_space<vmem>>
      %dma_start3A_336 = tpu.memref_squeeze %dma_start3A_335 : memref<1x1x1024xf32, #tpu.memory_space<vmem>> -> memref<1x1024xf32, #tpu.memory_space<vmem>>
      %dma_start3A_337 = arith.constant 0 : i32
      %dma_start3A_338 = tpu.memref_slice %arg3[%get3A_328, %dma_start3A_337] : memref<2048x1024xf32, #tpu.memory_space<any>> -> memref<1x1024xf32, #tpu.memory_space<any>>
      tpu.enqueue_dma source(%dma_start3A_338 : memref<1x1024xf32, #tpu.memory_space<any>>) target(%dma_start3A_336 : memref<1x1024xf32, #tpu.memory_space<vmem>>) target_semaphore(%dma_start3A_332 : memref<!tpu.dma_semaphore, #tpu.memory_space<semaphore_mem>>)
      %get3A_339 = arith.constant 0 : index
      %get3A_340 = arith.constant 5 : index
      %get3A_341 = memref.load %arg1[%get3A_339, %get3A_340] : memref<100x20xi32, #tpu.memory_space<smem>>
      %dma_start3A_342 = arith.constant 0 : i32
      %dma_start3A_343 = arith.constant 0 : i32
      %dma_start3A_344 = tpu.memref_slice %arg11[%dma_start3A_343] : memref<2x!tpu.dma_semaphore, #tpu.memory_space<semaphore_mem>> -> memref<1x!tpu.dma_semaphore, #tpu.memory_space<semaphore_mem>>
      %dma_start3A_345 = tpu.memref_squeeze %dma_start3A_344 : memref<1x!tpu.dma_semaphore, #tpu.memory_space<semaphore_mem>> -> memref<!tpu.dma_semaphore, #tpu.memory_space<semaphore_mem>>
      %dma_start3A_346 = arith.constant 5 : i32
      %dma_start3A_347 = arith.constant 0 : i32
      %dma_start3A_348 = tpu.memref_slice %arg10[%dma_start3A_342, %dma_start3A_346, %dma_start3A_347] : memref<2x20x1024xf32, #tpu.memory_space<vmem>> -> memref<1x1x1024xf32, #tpu.memory_space<vmem>>
      %dma_start3A_349 = tpu.memref_squeeze %dma_start3A_348 : memref<1x1x1024xf32, #tpu.memory_space<vmem>> -> memref<1x1024xf32, #tpu.memory_space<vmem>>
      %dma_start3A_350 = arith.constant 0 : i32
      %dma_start3A_351 = tpu.memref_slice %arg3[%get3A_341, %dma_start3A_350] : memref<2048x1024xf32, #tpu.memory_space<any>> -> memref<1x1024xf32, #tpu.memory_space<any>>
      tpu.enqueue_dma source(%dma_start3A_351 : memref<1x1024xf32, #tpu.memory_space<any>>) target(%dma_start3A_349 : memref<1x1024xf32, #tpu.memory_space<vmem>>) target_semaphore(%dma_start3A_345 : memref<!tpu.dma_semaphore, #tpu.memory_space<semaphore_mem>>)
      %get3A_352 = arith.constant 0 : index
      %get3A_353 = arith.constant 6 : index
      %get3A_354 = memref.load %arg1[%get3A_352, %get3A_353] : memref<100x20xi32, #tpu.memory_space<smem>>
      %dma_start3A_355 = arith.constant 0 : i32
      %dma_start3A_356 = arith.constant 0 : i32
      %dma_start3A_357 = tpu.memref_slice %arg11[%dma_start3A_356] : memref<2x!tpu.dma_semaphore, #tpu.memory_space<semaphore_mem>> -> memref<1x!tpu.dma_semaphore, #tpu.memory_space<semaphore_mem>>
      %dma_start3A_358 = tpu.memref_squeeze %dma_start3A_357 : memref<1x!tpu.dma_semaphore, #tpu.memory_space<semaphore_mem>> -> memref<!tpu.dma_semaphore, #tpu.memory_space<semaphore_mem>>
      %dma_start3A_359 = arith.constant 6 : i32
      %dma_start3A_360 = arith.constant 0 : i32
      %dma_start3A_361 = tpu.memref_slice %arg10[%dma_start3A_355, %dma_start3A_359, %dma_start3A_360] : memref<2x20x1024xf32, #tpu.memory_space<vmem>> -> memref<1x1x1024xf32, #tpu.memory_space<vmem>>
      %dma_start3A_362 = tpu.memref_squeeze %dma_start3A_361 : memref<1x1x1024xf32, #tpu.memory_space<vmem>> -> memref<1x1024xf32, #tpu.memory_space<vmem>>
      %dma_start3A_363 = arith.constant 0 : i32
      %dma_start3A_364 = tpu.memref_slice %arg3[%get3A_354, %dma_start3A_363] : memref<2048x1024xf32, #tpu.memory_space<any>> -> memref<1x1024xf32, #tpu.memory_space<any>>
      tpu.enqueue_dma source(%dma_start3A_364 : memref<1x1024xf32, #tpu.memory_space<any>>) target(%dma_start3A_362 : memref<1x1024xf32, #tpu.memory_space<vmem>>) target_semaphore(%dma_start3A_358 : memref<!tpu.dma_semaphore, #tpu.memory_space<semaphore_mem>>)
      %get3A_365 = arith.constant 0 : index
      %get3A_366 = arith.constant 7 : index
      %get3A_367 = memref.load %arg1[%get3A_365, %get3A_366] : memref<100x20xi32, #tpu.memory_space<smem>>
      %dma_start3A_368 = arith.constant 0 : i32
      %dma_start3A_369 = arith.constant 0 : i32
      %dma_start3A_370 = tpu.memref_slice %arg11[%dma_start3A_369] : memref<2x!tpu.dma_semaphore, #tpu.memory_space<semaphore_mem>> -> memref<1x!tpu.dma_semaphore, #tpu.memory_space<semaphore_mem>>
      %dma_start3A_371 = tpu.memref_squeeze %dma_start3A_370 : memref<1x!tpu.dma_semaphore, #tpu.memory_space<semaphore_mem>> -> memref<!tpu.dma_semaphore, #tpu.memory_space<semaphore_mem>>
      %dma_start3A_372 = arith.constant 7 : i32
      %dma_start3A_373 = arith.constant 0 : i32
      %dma_start3A_374 = tpu.memref_slice %arg10[%dma_start3A_368, %dma_start3A_372, %dma_start3A_373] : memref<2x20x1024xf32, #tpu.memory_space<vmem>> -> memref<1x1x1024xf32, #tpu.memory_space<vmem>>
      %dma_start3A_375 = tpu.memref_squeeze %dma_start3A_374 : memref<1x1x1024xf32, #tpu.memory_space<vmem>> -> memref<1x1024xf32, #tpu.memory_space<vmem>>
      %dma_start3A_376 = arith.constant 0 : i32
      %dma_start3A_377 = tpu.memref_slice %arg3[%get3A_367, %dma_start3A_376] : memref<2048x1024xf32, #tpu.memory_space<any>> -> memref<1x1024xf32, #tpu.memory_space<any>>
      tpu.enqueue_dma source(%dma_start3A_377 : memref<1x1024xf32, #tpu.memory_space<any>>) target(%dma_start3A_375 : memref<1x1024xf32, #tpu.memory_space<vmem>>) target_semaphore(%dma_start3A_371 : memref<!tpu.dma_semaphore, #tpu.memory_space<semaphore_mem>>)
      %get3A_378 = arith.constant 0 : index
      %get3A_379 = arith.constant 8 : index
      %get3A_380 = memref.load %arg1[%get3A_378, %get3A_379] : memref<100x20xi32, #tpu.memory_space<smem>>
      %dma_start3A_381 = arith.constant 0 : i32
      %dma_start3A_382 = arith.constant 0 : i32
      %dma_start3A_383 = tpu.memref_slice %arg11[%dma_start3A_382] : memref<2x!tpu.dma_semaphore, #tpu.memory_space<semaphore_mem>> -> memref<1x!tpu.dma_semaphore, #tpu.memory_space<semaphore_mem>>
      %dma_start3A_384 = tpu.memref_squeeze %dma_start3A_383 : memref<1x!tpu.dma_semaphore, #tpu.memory_space<semaphore_mem>> -> memref<!tpu.dma_semaphore, #tpu.memory_space<semaphore_mem>>
      %dma_start3A_385 = arith.constant 8 : i32
      %dma_start3A_386 = arith.constant 0 : i32
      %dma_start3A_387 = tpu.memref_slice %arg10[%dma_start3A_381, %dma_start3A_385, %dma_start3A_386] : memref<2x20x1024xf32, #tpu.memory_space<vmem>> -> memref<1x1x1024xf32, #tpu.memory_space<vmem>>
      %dma_start3A_388 = tpu.memref_squeeze %dma_start3A_387 : memref<1x1x1024xf32, #tpu.memory_space<vmem>> -> memref<1x1024xf32, #tpu.memory_space<vmem>>
      %dma_start3A_389 = arith.constant 0 : i32
      %dma_start3A_390 = tpu.memref_slice %arg3[%get3A_380, %dma_start3A_389] : memref<2048x1024xf32, #tpu.memory_space<any>> -> memref<1x1024xf32, #tpu.memory_space<any>>
      tpu.enqueue_dma source(%dma_start3A_390 : memref<1x1024xf32, #tpu.memory_space<any>>) target(%dma_start3A_388 : memref<1x1024xf32, #tpu.memory_space<vmem>>) target_semaphore(%dma_start3A_384 : memref<!tpu.dma_semaphore, #tpu.memory_space<semaphore_mem>>)
      %get3A_391 = arith.constant 0 : index
      %get3A_392 = arith.constant 9 : index
      %get3A_393 = memref.load %arg1[%get3A_391, %get3A_392] : memref<100x20xi32, #tpu.memory_space<smem>>
      %dma_start3A_394 = arith.constant 0 : i32
      %dma_start3A_395 = arith.constant 0 : i32
      %dma_start3A_396 = tpu.memref_slice %arg11[%dma_start3A_395] : memref<2x!tpu.dma_semaphore, #tpu.memory_space<semaphore_mem>> -> memref<1x!tpu.dma_semaphore, #tpu.memory_space<semaphore_mem>>
      %dma_start3A_397 = tpu.memref_squeeze %dma_start3A_396 : memref<1x!tpu.dma_semaphore, #tpu.memory_space<semaphore_mem>> -> memref<!tpu.dma_semaphore, #tpu.memory_space<semaphore_mem>>
      %dma_start3A_398 = arith.constant 9 : i32
      %dma_start3A_399 = arith.constant 0 : i32
      %dma_start3A_400 = tpu.memref_slice %arg10[%dma_start3A_394, %dma_start3A_398, %dma_start3A_399] : memref<2x20x1024xf32, #tpu.memory_space<vmem>> -> memref<1x1x1024xf32, #tpu.memory_space<vmem>>
      %dma_start3A_401 = tpu.memref_squeeze %dma_start3A_400 : memref<1x1x1024xf32, #tpu.memory_space<vmem>> -> memref<1x1024xf32, #tpu.memory_space<vmem>>
      %dma_start3A_402 = arith.constant 0 : i32
      %dma_start3A_403 = tpu.memref_slice %arg3[%get3A_393, %dma_start3A_402] : memref<2048x1024xf32, #tpu.memory_space<any>> -> memref<1x1024xf32, #tpu.memory_space<any>>
      tpu.enqueue_dma source(%dma_start3A_403 : memref<1x1024xf32, #tpu.memory_space<any>>) target(%dma_start3A_401 : memref<1x1024xf32, #tpu.memory_space<vmem>>) target_semaphore(%dma_start3A_397 : memref<!tpu.dma_semaphore, #tpu.memory_space<semaphore_mem>>)
      %get3A_404 = arith.constant 0 : index
      %get3A_405 = arith.constant 10 : index
      %get3A_406 = memref.load %arg1[%get3A_404, %get3A_405] : memref<100x20xi32, #tpu.memory_space<smem>>
      %dma_start3A_407 = arith.constant 0 : i32
      %dma_start3A_408 = arith.constant 0 : i32
      %dma_start3A_409 = tpu.memref_slice %arg11[%dma_start3A_408] : memref<2x!tpu.dma_semaphore, #tpu.memory_space<semaphore_mem>> -> memref<1x!tpu.dma_semaphore, #tpu.memory_space<semaphore_mem>>
      %dma_start3A_410 = tpu.memref_squeeze %dma_start3A_409 : memref<1x!tpu.dma_semaphore, #tpu.memory_space<semaphore_mem>> -> memref<!tpu.dma_semaphore, #tpu.memory_space<semaphore_mem>>
      %dma_start3A_411 = arith.constant 10 : i32
      %dma_start3A_412 = arith.constant 0 : i32
      %dma_start3A_413 = tpu.memref_slice %arg10[%dma_start3A_407, %dma_start3A_411, %dma_start3A_412] : memref<2x20x1024xf32, #tpu.memory_space<vmem>> -> memref<1x1x1024xf32, #tpu.memory_space<vmem>>
      %dma_start3A_414 = tpu.memref_squeeze %dma_start3A_413 : memref<1x1x1024xf32, #tpu.memory_space<vmem>> -> memref<1x1024xf32, #tpu.memory_space<vmem>>
      %dma_start3A_415 = arith.constant 0 : i32
      %dma_start3A_416 = tpu.memref_slice %arg3[%get3A_406, %dma_start3A_415] : memref<2048x1024xf32, #tpu.memory_space<any>> -> memref<1x1024xf32, #tpu.memory_space<any>>
      tpu.enqueue_dma source(%dma_start3A_416 : memref<1x1024xf32, #tpu.memory_space<any>>) target(%dma_start3A_414 : memref<1x1024xf32, #tpu.memory_space<vmem>>) target_semaphore(%dma_start3A_410 : memref<!tpu.dma_semaphore, #tpu.memory_space<semaphore_mem>>)
      %get3A_417 = arith.constant 0 : index
      %get3A_418 = arith.constant 11 : index
      %get3A_419 = memref.load %arg1[%get3A_417, %get3A_418] : memref<100x20xi32, #tpu.memory_space<smem>>
      %dma_start3A_420 = arith.constant 0 : i32
      %dma_start3A_421 = arith.constant 0 : i32
      %dma_start3A_422 = tpu.memref_slice %arg11[%dma_start3A_421] : memref<2x!tpu.dma_semaphore, #tpu.memory_space<semaphore_mem>> -> memref<1x!tpu.dma_semaphore, #tpu.memory_space<semaphore_mem>>
      %dma_start3A_423 = tpu.memref_squeeze %dma_start3A_422 : memref<1x!tpu.dma_semaphore, #tpu.memory_space<semaphore_mem>> -> memref<!tpu.dma_semaphore, #tpu.memory_space<semaphore_mem>>
      %dma_start3A_424 = arith.constant 11 : i32
      %dma_start3A_425 = arith.constant 0 : i32
      %dma_start3A_426 = tpu.memref_slice %arg10[%dma_start3A_420, %dma_start3A_424, %dma_start3A_425] : memref<2x20x1024xf32, #tpu.memory_space<vmem>> -> memref<1x1x1024xf32, #tpu.memory_space<vmem>>
      %dma_start3A_427 = tpu.memref_squeeze %dma_start3A_426 : memref<1x1x1024xf32, #tpu.memory_space<vmem>> -> memref<1x1024xf32, #tpu.memory_space<vmem>>
      %dma_start3A_428 = arith.constant 0 : i32
      %dma_start3A_429 = tpu.memref_slice %arg3[%get3A_419, %dma_start3A_428] : memref<2048x1024xf32, #tpu.memory_space<any>> -> memref<1x1024xf32, #tpu.memory_space<any>>
      tpu.enqueue_dma source(%dma_start3A_429 : memref<1x1024xf32, #tpu.memory_space<any>>) target(%dma_start3A_427 : memref<1x1024xf32, #tpu.memory_space<vmem>>) target_semaphore(%dma_start3A_423 : memref<!tpu.dma_semaphore, #tpu.memory_space<semaphore_mem>>)
      %get3A_430 = arith.constant 0 : index
      %get3A_431 = arith.constant 12 : index
      %get3A_432 = memref.load %arg1[%get3A_430, %get3A_431] : memref<100x20xi32, #tpu.memory_space<smem>>
      %dma_start3A_433 = arith.constant 0 : i32
      %dma_start3A_434 = arith.constant 0 : i32
      %dma_start3A_435 = tpu.memref_slice %arg11[%dma_start3A_434] : memref<2x!tpu.dma_semaphore, #tpu.memory_space<semaphore_mem>> -> memref<1x!tpu.dma_semaphore, #tpu.memory_space<semaphore_mem>>
      %dma_start3A_436 = tpu.memref_squeeze %dma_start3A_435 : memref<1x!tpu.dma_semaphore, #tpu.memory_space<semaphore_mem>> -> memref<!tpu.dma_semaphore, #tpu.memory_space<semaphore_mem>>
      %dma_start3A_437 = arith.constant 12 : i32
      %dma_start3A_438 = arith.constant 0 : i32
      %dma_start3A_439 = tpu.memref_slice %arg10[%dma_start3A_433, %dma_start3A_437, %dma_start3A_438] : memref<2x20x1024xf32, #tpu.memory_space<vmem>> -> memref<1x1x1024xf32, #tpu.memory_space<vmem>>
      %dma_start3A_440 = tpu.memref_squeeze %dma_start3A_439 : memref<1x1x1024xf32, #tpu.memory_space<vmem>> -> memref<1x1024xf32, #tpu.memory_space<vmem>>
      %dma_start3A_441 = arith.constant 0 : i32
      %dma_start3A_442 = tpu.memref_slice %arg3[%get3A_432, %dma_start3A_441] : memref<2048x1024xf32, #tpu.memory_space<any>> -> memref<1x1024xf32, #tpu.memory_space<any>>
      tpu.enqueue_dma source(%dma_start3A_442 : memref<1x1024xf32, #tpu.memory_space<any>>) target(%dma_start3A_440 : memref<1x1024xf32, #tpu.memory_space<vmem>>) target_semaphore(%dma_start3A_436 : memref<!tpu.dma_semaphore, #tpu.memory_space<semaphore_mem>>)
      %get3A_443 = arith.constant 0 : index
      %get3A_444 = arith.constant 13 : index
      %get3A_445 = memref.load %arg1[%get3A_443, %get3A_444] : memref<100x20xi32, #tpu.memory_space<smem>>
      %dma_start3A_446 = arith.constant 0 : i32
      %dma_start3A_447 = arith.constant 0 : i32
      %dma_start3A_448 = tpu.memref_slice %arg11[%dma_start3A_447] : memref<2x!tpu.dma_semaphore, #tpu.memory_space<semaphore_mem>> -> memref<1x!tpu.dma_semaphore, #tpu.memory_space<semaphore_mem>>
      %dma_start3A_449 = tpu.memref_squeeze %dma_start3A_448 : memref<1x!tpu.dma_semaphore, #tpu.memory_space<semaphore_mem>> -> memref<!tpu.dma_semaphore, #tpu.memory_space<semaphore_mem>>
      %dma_start3A_450 = arith.constant 13 : i32
      %dma_start3A_451 = arith.constant 0 : i32
      %dma_start3A_452 = tpu.memref_slice %arg10[%dma_start3A_446, %dma_start3A_450, %dma_start3A_451] : memref<2x20x1024xf32, #tpu.memory_space<vmem>> -> memref<1x1x1024xf32, #tpu.memory_space<vmem>>
      %dma_start3A_453 = tpu.memref_squeeze %dma_start3A_452 : memref<1x1x1024xf32, #tpu.memory_space<vmem>> -> memref<1x1024xf32, #tpu.memory_space<vmem>>
      %dma_start3A_454 = arith.constant 0 : i32
      %dma_start3A_455 = tpu.memref_slice %arg3[%get3A_445, %dma_start3A_454] : memref<2048x1024xf32, #tpu.memory_space<any>> -> memref<1x1024xf32, #tpu.memory_space<any>>
      tpu.enqueue_dma source(%dma_start3A_455 : memref<1x1024xf32, #tpu.memory_space<any>>) target(%dma_start3A_453 : memref<1x1024xf32, #tpu.memory_space<vmem>>) target_semaphore(%dma_start3A_449 : memref<!tpu.dma_semaphore, #tpu.memory_space<semaphore_mem>>)
      %get3A_456 = arith.constant 0 : index
      %get3A_457 = arith.constant 14 : index
      %get3A_458 = memref.load %arg1[%get3A_456, %get3A_457] : memref<100x20xi32, #tpu.memory_space<smem>>
      %dma_start3A_459 = arith.constant 0 : i32
      %dma_start3A_460 = arith.constant 0 : i32
      %dma_start3A_461 = tpu.memref_slice %arg11[%dma_start3A_460] : memref<2x!tpu.dma_semaphore, #tpu.memory_space<semaphore_mem>> -> memref<1x!tpu.dma_semaphore, #tpu.memory_space<semaphore_mem>>
      %dma_start3A_462 = tpu.memref_squeeze %dma_start3A_461 : memref<1x!tpu.dma_semaphore, #tpu.memory_space<semaphore_mem>> -> memref<!tpu.dma_semaphore, #tpu.memory_space<semaphore_mem>>
      %dma_start3A_463 = arith.constant 14 : i32
      %dma_start3A_464 = arith.constant 0 : i32
      %dma_start3A_465 = tpu.memref_slice %arg10[%dma_start3A_459, %dma_start3A_463, %dma_start3A_464] : memref<2x20x1024xf32, #tpu.memory_space<vmem>> -> memref<1x1x1024xf32, #tpu.memory_space<vmem>>
      %dma_start3A_466 = tpu.memref_squeeze %dma_start3A_465 : memref<1x1x1024xf32, #tpu.memory_space<vmem>> -> memref<1x1024xf32, #tpu.memory_space<vmem>>
      %dma_start3A_467 = arith.constant 0 : i32
      %dma_start3A_468 = tpu.memref_slice %arg3[%get3A_458, %dma_start3A_467] : memref<2048x1024xf32, #tpu.memory_space<any>> -> memref<1x1024xf32, #tpu.memory_space<any>>
      tpu.enqueue_dma source(%dma_start3A_468 : memref<1x1024xf32, #tpu.memory_space<any>>) target(%dma_start3A_466 : memref<1x1024xf32, #tpu.memory_space<vmem>>) target_semaphore(%dma_start3A_462 : memref<!tpu.dma_semaphore, #tpu.memory_space<semaphore_mem>>)
      %get3A_469 = arith.constant 0 : index
      %get3A_470 = arith.constant 15 : index
      %get3A_471 = memref.load %arg1[%get3A_469, %get3A_470] : memref<100x20xi32, #tpu.memory_space<smem>>
      %dma_start3A_472 = arith.constant 0 : i32
      %dma_start3A_473 = arith.constant 0 : i32
      %dma_start3A_474 = tpu.memref_slice %arg11[%dma_start3A_473] : memref<2x!tpu.dma_semaphore, #tpu.memory_space<semaphore_mem>> -> memref<1x!tpu.dma_semaphore, #tpu.memory_space<semaphore_mem>>
      %dma_start3A_475 = tpu.memref_squeeze %dma_start3A_474 : memref<1x!tpu.dma_semaphore, #tpu.memory_space<semaphore_mem>> -> memref<!tpu.dma_semaphore, #tpu.memory_space<semaphore_mem>>
      %dma_start3A_476 = arith.constant 15 : i32
      %dma_start3A_477 = arith.constant 0 : i32
      %dma_start3A_478 = tpu.memref_slice %arg10[%dma_start3A_472, %dma_start3A_476, %dma_start3A_477] : memref<2x20x1024xf32, #tpu.memory_space<vmem>> -> memref<1x1x1024xf32, #tpu.memory_space<vmem>>
      %dma_start3A_479 = tpu.memref_squeeze %dma_start3A_478 : memref<1x1x1024xf32, #tpu.memory_space<vmem>> -> memref<1x1024xf32, #tpu.memory_space<vmem>>
      %dma_start3A_480 = arith.constant 0 : i32
      %dma_start3A_481 = tpu.memref_slice %arg3[%get3A_471, %dma_start3A_480] : memref<2048x1024xf32, #tpu.memory_space<any>> -> memref<1x1024xf32, #tpu.memory_space<any>>
      tpu.enqueue_dma source(%dma_start3A_481 : memref<1x1024xf32, #tpu.memory_space<any>>) target(%dma_start3A_479 : memref<1x1024xf32, #tpu.memory_space<vmem>>) target_semaphore(%dma_start3A_475 : memref<!tpu.dma_semaphore, #tpu.memory_space<semaphore_mem>>)
      %get3A_482 = arith.constant 0 : index
      %get3A_483 = arith.constant 16 : index
      %get3A_484 = memref.load %arg1[%get3A_482, %get3A_483] : memref<100x20xi32, #tpu.memory_space<smem>>
      %dma_start3A_485 = arith.constant 0 : i32
      %dma_start3A_486 = arith.constant 0 : i32
      %dma_start3A_487 = tpu.memref_slice %arg11[%dma_start3A_486] : memref<2x!tpu.dma_semaphore, #tpu.memory_space<semaphore_mem>> -> memref<1x!tpu.dma_semaphore, #tpu.memory_space<semaphore_mem>>
      %dma_start3A_488 = tpu.memref_squeeze %dma_start3A_487 : memref<1x!tpu.dma_semaphore, #tpu.memory_space<semaphore_mem>> -> memref<!tpu.dma_semaphore, #tpu.memory_space<semaphore_mem>>
      %dma_start3A_489 = arith.constant 16 : i32
      %dma_start3A_490 = arith.constant 0 : i32
      %dma_start3A_491 = tpu.memref_slice %arg10[%dma_start3A_485, %dma_start3A_489, %dma_start3A_490] : memref<2x20x1024xf32, #tpu.memory_space<vmem>> -> memref<1x1x1024xf32, #tpu.memory_space<vmem>>
      %dma_start3A_492 = tpu.memref_squeeze %dma_start3A_491 : memref<1x1x1024xf32, #tpu.memory_space<vmem>> -> memref<1x1024xf32, #tpu.memory_space<vmem>>
      %dma_start3A_493 = arith.constant 0 : i32
      %dma_start3A_494 = tpu.memref_slice %arg3[%get3A_484, %dma_start3A_493] : memref<2048x1024xf32, #tpu.memory_space<any>> -> memref<1x1024xf32, #tpu.memory_space<any>>
      tpu.enqueue_dma source(%dma_start3A_494 : memref<1x1024xf32, #tpu.memory_space<any>>) target(%dma_start3A_492 : memref<1x1024xf32, #tpu.memory_space<vmem>>) target_semaphore(%dma_start3A_488 : memref<!tpu.dma_semaphore, #tpu.memory_space<semaphore_mem>>)
      %get3A_495 = arith.constant 0 : index
      %get3A_496 = arith.constant 17 : index
      %get3A_497 = memref.load %arg1[%get3A_495, %get3A_496] : memref<100x20xi32, #tpu.memory_space<smem>>
      %dma_start3A_498 = arith.constant 0 : i32
      %dma_start3A_499 = arith.constant 0 : i32
      %dma_start3A_500 = tpu.memref_slice %arg11[%dma_start3A_499] : memref<2x!tpu.dma_semaphore, #tpu.memory_space<semaphore_mem>> -> memref<1x!tpu.dma_semaphore, #tpu.memory_space<semaphore_mem>>
      %dma_start3A_501 = tpu.memref_squeeze %dma_start3A_500 : memref<1x!tpu.dma_semaphore, #tpu.memory_space<semaphore_mem>> -> memref<!tpu.dma_semaphore, #tpu.memory_space<semaphore_mem>>
      %dma_start3A_502 = arith.constant 17 : i32
      %dma_start3A_503 = arith.constant 0 : i32
      %dma_start3A_504 = tpu.memref_slice %arg10[%dma_start3A_498, %dma_start3A_502, %dma_start3A_503] : memref<2x20x1024xf32, #tpu.memory_space<vmem>> -> memref<1x1x1024xf32, #tpu.memory_space<vmem>>
      %dma_start3A_505 = tpu.memref_squeeze %dma_start3A_504 : memref<1x1x1024xf32, #tpu.memory_space<vmem>> -> memref<1x1024xf32, #tpu.memory_space<vmem>>
      %dma_start3A_506 = arith.constant 0 : i32
      %dma_start3A_507 = tpu.memref_slice %arg3[%get3A_497, %dma_start3A_506] : memref<2048x1024xf32, #tpu.memory_space<any>> -> memref<1x1024xf32, #tpu.memory_space<any>>
      tpu.enqueue_dma source(%dma_start3A_507 : memref<1x1024xf32, #tpu.memory_space<any>>) target(%dma_start3A_505 : memref<1x1024xf32, #tpu.memory_space<vmem>>) target_semaphore(%dma_start3A_501 : memref<!tpu.dma_semaphore, #tpu.memory_space<semaphore_mem>>)
      %get3A_508 = arith.constant 0 : index
      %get3A_509 = arith.constant 18 : index
      %get3A_510 = memref.load %arg1[%get3A_508, %get3A_509] : memref<100x20xi32, #tpu.memory_space<smem>>
      %dma_start3A_511 = arith.constant 0 : i32
      %dma_start3A_512 = arith.constant 0 : i32
      %dma_start3A_513 = tpu.memref_slice %arg11[%dma_start3A_512] : memref<2x!tpu.dma_semaphore, #tpu.memory_space<semaphore_mem>> -> memref<1x!tpu.dma_semaphore, #tpu.memory_space<semaphore_mem>>
      %dma_start3A_514 = tpu.memref_squeeze %dma_start3A_513 : memref<1x!tpu.dma_semaphore, #tpu.memory_space<semaphore_mem>> -> memref<!tpu.dma_semaphore, #tpu.memory_space<semaphore_mem>>
      %dma_start3A_515 = arith.constant 18 : i32
      %dma_start3A_516 = arith.constant 0 : i32
      %dma_start3A_517 = tpu.memref_slice %arg10[%dma_start3A_511, %dma_start3A_515, %dma_start3A_516] : memref<2x20x1024xf32, #tpu.memory_space<vmem>> -> memref<1x1x1024xf32, #tpu.memory_space<vmem>>
      %dma_start3A_518 = tpu.memref_squeeze %dma_start3A_517 : memref<1x1x1024xf32, #tpu.memory_space<vmem>> -> memref<1x1024xf32, #tpu.memory_space<vmem>>
      %dma_start3A_519 = arith.constant 0 : i32
      %dma_start3A_520 = tpu.memref_slice %arg3[%get3A_510, %dma_start3A_519] : memref<2048x1024xf32, #tpu.memory_space<any>> -> memref<1x1024xf32, #tpu.memory_space<any>>
      tpu.enqueue_dma source(%dma_start3A_520 : memref<1x1024xf32, #tpu.memory_space<any>>) target(%dma_start3A_518 : memref<1x1024xf32, #tpu.memory_space<vmem>>) target_semaphore(%dma_start3A_514 : memref<!tpu.dma_semaphore, #tpu.memory_space<semaphore_mem>>)
      %get3A_521 = arith.constant 0 : index
      %get3A_522 = arith.constant 19 : index
      %get3A_523 = memref.load %arg1[%get3A_521, %get3A_522] : memref<100x20xi32, #tpu.memory_space<smem>>
      %dma_start3A_524 = arith.constant 0 : i32
      %dma_start3A_525 = arith.constant 0 : i32
      %dma_start3A_526 = tpu.memref_slice %arg11[%dma_start3A_525] : memref<2x!tpu.dma_semaphore, #tpu.memory_space<semaphore_mem>> -> memref<1x!tpu.dma_semaphore, #tpu.memory_space<semaphore_mem>>
      %dma_start3A_527 = tpu.memref_squeeze %dma_start3A_526 : memref<1x!tpu.dma_semaphore, #tpu.memory_space<semaphore_mem>> -> memref<!tpu.dma_semaphore, #tpu.memory_space<semaphore_mem>>
      %dma_start3A_528 = arith.constant 19 : i32
      %dma_start3A_529 = arith.constant 0 : i32
      %dma_start3A_530 = tpu.memref_slice %arg10[%dma_start3A_524, %dma_start3A_528, %dma_start3A_529] : memref<2x20x1024xf32, #tpu.memory_space<vmem>> -> memref<1x1x1024xf32, #tpu.memory_space<vmem>>
      %dma_start3A_531 = tpu.memref_squeeze %dma_start3A_530 : memref<1x1x1024xf32, #tpu.memory_space<vmem>> -> memref<1x1024xf32, #tpu.memory_space<vmem>>
      %dma_start3A_532 = arith.constant 0 : i32
      %dma_start3A_533 = tpu.memref_slice %arg3[%get3A_523, %dma_start3A_532] : memref<2048x1024xf32, #tpu.memory_space<any>> -> memref<1x1024xf32, #tpu.memory_space<any>>
      tpu.enqueue_dma source(%dma_start3A_533 : memref<1x1024xf32, #tpu.memory_space<any>>) target(%dma_start3A_531 : memref<1x1024xf32, #tpu.memory_space<vmem>>) target_semaphore(%dma_start3A_527 : memref<!tpu.dma_semaphore, #tpu.memory_space<semaphore_mem>>)
      %get3A_534 = arith.constant 0 : index
      %get3A_535 = arith.constant 0 : index
      %get3A_536 = vector.load %arg2[%get3A_534, %get3A_535] : memref<2048x1024xf32, #tpu.memory_space<vmem>>, vector<2048x1024xf32>
      %get3A_537 = arith.constant 0 : index
      %get3A_538 = arith.constant 0 : index
      %get3A_539 = vector.load %arg4[%get3A_537, %get3A_538] : memref<100x1024xf32, #tpu.memory_space<vmem>>, vector<100x1024xf32>
      %dot_general3A_540 = arith.constant dense<0.000000e+00> : vector<2048x100xf32>
      %dot_general3A_541 = tpu.matmul %get3A_536, %get3A_539, %dot_general3A_540 {dimension_numbers = #tpu.dot_dimension_numbers<[1], [1], [0], [0], [0, 0, 1, 0], [], []>, transpose_lhs_hint = false} : vector<2048x1024xf32>, vector<100x1024xf32>, vector<2048x100xf32> -> vector<2048x100xf32>
      %get3A_542 = arith.constant 0 : index
      %get3A_543 = arith.constant 0 : index
      %get3A_544 = vector.load %arg5[%get3A_542, %get3A_543] : memref<1x100xf32, #tpu.memory_space<vmem>>, vector<1x100xf32>
      %add3A_545 = vector.broadcast %get3A_544 : vector<1x100xf32> to vector<2048x100xf32>
      %add3A_546 = arith.addf %dot_general3A_541, %add3A_545 : vector<2048x100xf32>
      %swap3A_547 = arith.constant 0 : index
      %swap3A_548 = arith.constant 0 : index
      %swap3A_549 = vector.load %arg8[%swap3A_547, %swap3A_548] : memref<2048x100xf32, #tpu.memory_space<vmem>>, vector<2048x100xf32>
      tpu.vector_store %arg8[%swap3A_547, %swap3A_548], %add3A_546 {strides = array<i32>} : memref<2048x100xf32, #tpu.memory_space<vmem>>, vector<2048x100xf32>,
    } else {
    }
    %add3A = arith.constant 1 : i32
    %add3A_2 = arith.addi %arg0, %add3A : i32
    %lt3A = arith.constant 50 : i32
    %lt3A_3 = arith.cmpi slt, %add3A_2, %lt3A : i32
    %convert_element_type3A_4 = arith.extui %lt3A_3 : i1 to i32
    %cond3A_5 = arith.constant 0 : i32
    %cond3A_6 = arith.cmpi ne, %convert_element_type3A_4, %cond3A_5 : i32
    scf.if %cond3A_6 {
      %add3A_275 = arith.constant 1 : i32
      %add3A_276 = arith.addi %arg0, %add3A_275 : i32
      %add3A_277 = arith.constant 1 : i32
      %add3A_278 = arith.addi %arg0, %add3A_277 : i32
      %jit3A_279 = arith.constant 2 : i32
      %eq3A_280 = arith.constant 0 : i32
      %eq3A_281 = arith.cmpi eq, %jit3A_279, %eq3A_280 : i32
      %jit3A_282 = arith.constant 1 : i32
      %select_n3A_283 = arith.select %eq3A_281, %jit3A_282, %jit3A_279 : i32
      %rem3A_284 = arith.remsi %add3A_278, %select_n3A_283 : i32
      %ne3A_285 = arith.constant 0 : i32
      %ne3A_286 = arith.cmpi ne, %rem3A_284, %ne3A_285 : i32
      %lt3A_287 = arith.constant 0 : i32
      %lt3A_288 = arith.cmpi slt, %rem3A_284, %lt3A_287 : i32
      %lt3A_289 = arith.constant 0 : i32
      %lt3A_290 = arith.cmpi slt, %select_n3A_283, %lt3A_289 : i32
      %ne3A_291 = arith.xori %lt3A_288, %lt3A_290 : i1
      %and3A_292 = arith.andi %ne3A_291, %ne3A_286 : i1
      %add3A_293 = arith.addi %rem3A_284, %select_n3A_283 : i32
      %select_n3A_294 = arith.select %and3A_292, %add3A_293, %rem3A_284 : i32
      %get3A_295 = arith.index_cast %add3A_276 : i32 to index
      %get3A_296 = arith.constant 0 : index
      %get3A_297 = memref.load %arg1[%get3A_295, %get3A_296] : memref<100x20xi32, #tpu.memory_space<smem>>
      %dma_start3A = tpu.memref_slice %arg11[%select_n3A_294] : memref<2x!tpu.dma_semaphore, #tpu.memory_space<semaphore_mem>> -> memref<1x!tpu.dma_semaphore, #tpu.memory_space<semaphore_mem>>
      %dma_start3A_298 = tpu.memref_squeeze %dma_start3A : memref<1x!tpu.dma_semaphore, #tpu.memory_space<semaphore_mem>> -> memref<!tpu.dma_semaphore, #tpu.memory_space<semaphore_mem>>
      %dma_start3A_299 = arith.constant 0 : i32
      %dma_start3A_300 = arith.constant 0 : i32
      %dma_start3A_301 = tpu.memref_slice %arg10[%select_n3A_294, %dma_start3A_299, %dma_start3A_300] : memref<2x20x1024xf32, #tpu.memory_space<vmem>> -> memref<1x1x1024xf32, #tpu.memory_space<vmem>>
      %dma_start3A_302 = tpu.memref_squeeze %dma_start3A_301 : memref<1x1x1024xf32, #tpu.memory_space<vmem>> -> memref<1x1024xf32, #tpu.memory_space<vmem>>
      %dma_start3A_303 = arith.constant 0 : i32
      %dma_start3A_304 = tpu.memref_slice %arg3[%get3A_297, %dma_start3A_303] : memref<2048x1024xf32, #tpu.memory_space<any>> -> memref<1x1024xf32, #tpu.memory_space<any>>
      tpu.enqueue_dma source(%dma_start3A_304 : memref<1x1024xf32, #tpu.memory_space<any>>) target(%dma_start3A_302 : memref<1x1024xf32, #tpu.memory_space<vmem>>) target_semaphore(%dma_start3A_298 : memref<!tpu.dma_semaphore, #tpu.memory_space<semaphore_mem>>)
      %get3A_305 = arith.index_cast %add3A_276 : i32 to index
      %get3A_306 = arith.constant 1 : index
      %get3A_307 = memref.load %arg1[%get3A_305, %get3A_306] : memref<100x20xi32, #tpu.memory_space<smem>>
      %dma_start3A_308 = tpu.memref_slice %arg11[%select_n3A_294] : memref<2x!tpu.dma_semaphore, #tpu.memory_space<semaphore_mem>> -> memref<1x!tpu.dma_semaphore, #tpu.memory_space<semaphore_mem>>
      %dma_start3A_309 = tpu.memref_squeeze %dma_start3A_308 : memref<1x!tpu.dma_semaphore, #tpu.memory_space<semaphore_mem>> -> memref<!tpu.dma_semaphore, #tpu.memory_space<semaphore_mem>>
      %dma_start3A_310 = arith.constant 1 : i32
      %dma_start3A_311 = arith.constant 0 : i32
      %dma_start3A_312 = tpu.memref_slice %arg10[%select_n3A_294, %dma_start3A_310, %dma_start3A_311] : memref<2x20x1024xf32, #tpu.memory_space<vmem>> -> memref<1x1x1024xf32, #tpu.memory_space<vmem>>
      %dma_start3A_313 = tpu.memref_squeeze %dma_start3A_312 : memref<1x1x1024xf32, #tpu.memory_space<vmem>> -> memref<1x1024xf32, #tpu.memory_space<vmem>>
      %dma_start3A_314 = arith.constant 0 : i32
      %dma_start3A_315 = tpu.memref_slice %arg3[%get3A_307, %dma_start3A_314] : memref<2048x1024xf32, #tpu.memory_space<any>> -> memref<1x1024xf32, #tpu.memory_space<any>>
      tpu.enqueue_dma source(%dma_start3A_315 : memref<1x1024xf32, #tpu.memory_space<any>>) target(%dma_start3A_313 : memref<1x1024xf32, #tpu.memory_space<vmem>>) target_semaphore(%dma_start3A_309 : memref<!tpu.dma_semaphore, #tpu.memory_space<semaphore_mem>>)
      %get3A_316 = arith.index_cast %add3A_276 : i32 to index
      %get3A_317 = arith.constant 2 : index
      %get3A_318 = memref.load %arg1[%get3A_316, %get3A_317] : memref<100x20xi32, #tpu.memory_space<smem>>
      %dma_start3A_319 = tpu.memref_slice %arg11[%select_n3A_294] : memref<2x!tpu.dma_semaphore, #tpu.memory_space<semaphore_mem>> -> memref<1x!tpu.dma_semaphore, #tpu.memory_space<semaphore_mem>>
      %dma_start3A_320 = tpu.memref_squeeze %dma_start3A_319 : memref<1x!tpu.dma_semaphore, #tpu.memory_space<semaphore_mem>> -> memref<!tpu.dma_semaphore, #tpu.memory_space<semaphore_mem>>
      %dma_start3A_321 = arith.constant 2 : i32
      %dma_start3A_322 = arith.constant 0 : i32
      %dma_start3A_323 = tpu.memref_slice %arg10[%select_n3A_294, %dma_start3A_321, %dma_start3A_322] : memref<2x20x1024xf32, #tpu.memory_space<vmem>> -> memref<1x1x1024xf32, #tpu.memory_space<vmem>>
      %dma_start3A_324 = tpu.memref_squeeze %dma_start3A_323 : memref<1x1x1024xf32, #tpu.memory_space<vmem>> -> memref<1x1024xf32, #tpu.memory_space<vmem>>
      %dma_start3A_325 = arith.constant 0 : i32
      %dma_start3A_326 = tpu.memref_slice %arg3[%get3A_318, %dma_start3A_325] : memref<2048x1024xf32, #tpu.memory_space<any>> -> memref<1x1024xf32, #tpu.memory_space<any>>
      tpu.enqueue_dma source(%dma_start3A_326 : memref<1x1024xf32, #tpu.memory_space<any>>) target(%dma_start3A_324 : memref<1x1024xf32, #tpu.memory_space<vmem>>) target_semaphore(%dma_start3A_320 : memref<!tpu.dma_semaphore, #tpu.memory_space<semaphore_mem>>)
      %get3A_327 = arith.index_cast %add3A_276 : i32 to index
      %get3A_328 = arith.constant 3 : index
      %get3A_329 = memref.load %arg1[%get3A_327, %get3A_328] : memref<100x20xi32, #tpu.memory_space<smem>>
      %dma_start3A_330 = tpu.memref_slice %arg11[%select_n3A_294] : memref<2x!tpu.dma_semaphore, #tpu.memory_space<semaphore_mem>> -> memref<1x!tpu.dma_semaphore, #tpu.memory_space<semaphore_mem>>
      %dma_start3A_331 = tpu.memref_squeeze %dma_start3A_330 : memref<1x!tpu.dma_semaphore, #tpu.memory_space<semaphore_mem>> -> memref<!tpu.dma_semaphore, #tpu.memory_space<semaphore_mem>>
      %dma_start3A_332 = arith.constant 3 : i32
      %dma_start3A_333 = arith.constant 0 : i32
      %dma_start3A_334 = tpu.memref_slice %arg10[%select_n3A_294, %dma_start3A_332, %dma_start3A_333] : memref<2x20x1024xf32, #tpu.memory_space<vmem>> -> memref<1x1x1024xf32, #tpu.memory_space<vmem>>
      %dma_start3A_335 = tpu.memref_squeeze %dma_start3A_334 : memref<1x1x1024xf32, #tpu.memory_space<vmem>> -> memref<1x1024xf32, #tpu.memory_space<vmem>>
      %dma_start3A_336 = arith.constant 0 : i32
      %dma_start3A_337 = tpu.memref_slice %arg3[%get3A_329, %dma_start3A_336] : memref<2048x1024xf32, #tpu.memory_space<any>> -> memref<1x1024xf32, #tpu.memory_space<any>>
      tpu.enqueue_dma source(%dma_start3A_337 : memref<1x1024xf32, #tpu.memory_space<any>>) target(%dma_start3A_335 : memref<1x1024xf32, #tpu.memory_space<vmem>>) target_semaphore(%dma_start3A_331 : memref<!tpu.dma_semaphore, #tpu.memory_space<semaphore_mem>>)
      %get3A_338 = arith.index_cast %add3A_276 : i32 to index
      %get3A_339 = arith.constant 4 : index
      %get3A_340 = memref.load %arg1[%get3A_338, %get3A_339] : memref<100x20xi32, #tpu.memory_space<smem>>
      %dma_start3A_341 = tpu.memref_slice %arg11[%select_n3A_294] : memref<2x!tpu.dma_semaphore, #tpu.memory_space<semaphore_mem>> -> memref<1x!tpu.dma_semaphore, #tpu.memory_space<semaphore_mem>>
      %dma_start3A_342 = tpu.memref_squeeze %dma_start3A_341 : memref<1x!tpu.dma_semaphore, #tpu.memory_space<semaphore_mem>> -> memref<!tpu.dma_semaphore, #tpu.memory_space<semaphore_mem>>
      %dma_start3A_343 = arith.constant 4 : i32
      %dma_start3A_344 = arith.constant 0 : i32
      %dma_start3A_345 = tpu.memref_slice %arg10[%select_n3A_294, %dma_start3A_343, %dma_start3A_344] : memref<2x20x1024xf32, #tpu.memory_space<vmem>> -> memref<1x1x1024xf32, #tpu.memory_space<vmem>>
      %dma_start3A_346 = tpu.memref_squeeze %dma_start3A_345 : memref<1x1x1024xf32, #tpu.memory_space<vmem>> -> memref<1x1024xf32, #tpu.memory_space<vmem>>
      %dma_start3A_347 = arith.constant 0 : i32
      %dma_start3A_348 = tpu.memref_slice %arg3[%get3A_340, %dma_start3A_347] : memref<2048x1024xf32, #tpu.memory_space<any>> -> memref<1x1024xf32, #tpu.memory_space<any>>
      tpu.enqueue_dma source(%dma_start3A_348 : memref<1x1024xf32, #tpu.memory_space<any>>) target(%dma_start3A_346 : memref<1x1024xf32, #tpu.memory_space<vmem>>) target_semaphore(%dma_start3A_342 : memref<!tpu.dma_semaphore, #tpu.memory_space<semaphore_mem>>)
      %get3A_349 = arith.index_cast %add3A_276 : i32 to index
      %get3A_350 = arith.constant 5 : index
      %get3A_351 = memref.load %arg1[%get3A_349, %get3A_350] : memref<100x20xi32, #tpu.memory_space<smem>>
      %dma_start3A_352 = tpu.memref_slice %arg11[%select_n3A_294] : memref<2x!tpu.dma_semaphore, #tpu.memory_space<semaphore_mem>> -> memref<1x!tpu.dma_semaphore, #tpu.memory_space<semaphore_mem>>
      %dma_start3A_353 = tpu.memref_squeeze %dma_start3A_352 : memref<1x!tpu.dma_semaphore, #tpu.memory_space<semaphore_mem>> -> memref<!tpu.dma_semaphore, #tpu.memory_space<semaphore_mem>>
      %dma_start3A_354 = arith.constant 5 : i32
      %dma_start3A_355 = arith.constant 0 : i32
      %dma_start3A_356 = tpu.memref_slice %arg10[%select_n3A_294, %dma_start3A_354, %dma_start3A_355] : memref<2x20x1024xf32, #tpu.memory_space<vmem>> -> memref<1x1x1024xf32, #tpu.memory_space<vmem>>
      %dma_start3A_357 = tpu.memref_squeeze %dma_start3A_356 : memref<1x1x1024xf32, #tpu.memory_space<vmem>> -> memref<1x1024xf32, #tpu.memory_space<vmem>>
      %dma_start3A_358 = arith.constant 0 : i32
      %dma_start3A_359 = tpu.memref_slice %arg3[%get3A_351, %dma_start3A_358] : memref<2048x1024xf32, #tpu.memory_space<any>> -> memref<1x1024xf32, #tpu.memory_space<any>>
      tpu.enqueue_dma source(%dma_start3A_359 : memref<1x1024xf32, #tpu.memory_space<any>>) target(%dma_start3A_357 : memref<1x1024xf32, #tpu.memory_space<vmem>>) target_semaphore(%dma_start3A_353 : memref<!tpu.dma_semaphore, #tpu.memory_space<semaphore_mem>>)
      %get3A_360 = arith.index_cast %add3A_276 : i32 to index
      %get3A_361 = arith.constant 6 : index
      %get3A_362 = memref.load %arg1[%get3A_360, %get3A_361] : memref<100x20xi32, #tpu.memory_space<smem>>
      %dma_start3A_363 = tpu.memref_slice %arg11[%select_n3A_294] : memref<2x!tpu.dma_semaphore, #tpu.memory_space<semaphore_mem>> -> memref<1x!tpu.dma_semaphore, #tpu.memory_space<semaphore_mem>>
      %dma_start3A_364 = tpu.memref_squeeze %dma_start3A_363 : memref<1x!tpu.dma_semaphore, #tpu.memory_space<semaphore_mem>> -> memref<!tpu.dma_semaphore, #tpu.memory_space<semaphore_mem>>
      %dma_start3A_365 = arith.constant 6 : i32
      %dma_start3A_366 = arith.constant 0 : i32
      %dma_start3A_367 = tpu.memref_slice %arg10[%select_n3A_294, %dma_start3A_365, %dma_start3A_366] : memref<2x20x1024xf32, #tpu.memory_space<vmem>> -> memref<1x1x1024xf32, #tpu.memory_space<vmem>>
      %dma_start3A_368 = tpu.memref_squeeze %dma_start3A_367 : memref<1x1x1024xf32, #tpu.memory_space<vmem>> -> memref<1x1024xf32, #tpu.memory_space<vmem>>
      %dma_start3A_369 = arith.constant 0 : i32
      %dma_start3A_370 = tpu.memref_slice %arg3[%get3A_362, %dma_start3A_369] : memref<2048x1024xf32, #tpu.memory_space<any>> -> memref<1x1024xf32, #tpu.memory_space<any>>
      tpu.enqueue_dma source(%dma_start3A_370 : memref<1x1024xf32, #tpu.memory_space<any>>) target(%dma_start3A_368 : memref<1x1024xf32, #tpu.memory_space<vmem>>) target_semaphore(%dma_start3A_364 : memref<!tpu.dma_semaphore, #tpu.memory_space<semaphore_mem>>)
      %get3A_371 = arith.index_cast %add3A_276 : i32 to index
      %get3A_372 = arith.constant 7 : index
      %get3A_373 = memref.load %arg1[%get3A_371, %get3A_372] : memref<100x20xi32, #tpu.memory_space<smem>>
      %dma_start3A_374 = tpu.memref_slice %arg11[%select_n3A_294] : memref<2x!tpu.dma_semaphore, #tpu.memory_space<semaphore_mem>> -> memref<1x!tpu.dma_semaphore, #tpu.memory_space<semaphore_mem>>
      %dma_start3A_375 = tpu.memref_squeeze %dma_start3A_374 : memref<1x!tpu.dma_semaphore, #tpu.memory_space<semaphore_mem>> -> memref<!tpu.dma_semaphore, #tpu.memory_space<semaphore_mem>>
      %dma_start3A_376 = arith.constant 7 : i32
      %dma_start3A_377 = arith.constant 0 : i32
      %dma_start3A_378 = tpu.memref_slice %arg10[%select_n3A_294, %dma_start3A_376, %dma_start3A_377] : memref<2x20x1024xf32, #tpu.memory_space<vmem>> -> memref<1x1x1024xf32, #tpu.memory_space<vmem>>
      %dma_start3A_379 = tpu.memref_squeeze %dma_start3A_378 : memref<1x1x1024xf32, #tpu.memory_space<vmem>> -> memref<1x1024xf32, #tpu.memory_space<vmem>>
      %dma_start3A_380 = arith.constant 0 : i32
      %dma_start3A_381 = tpu.memref_slice %arg3[%get3A_373, %dma_start3A_380] : memref<2048x1024xf32, #tpu.memory_space<any>> -> memref<1x1024xf32, #tpu.memory_space<any>>
      tpu.enqueue_dma source(%dma_start3A_381 : memref<1x1024xf32, #tpu.memory_space<any>>) target(%dma_start3A_379 : memref<1x1024xf32, #tpu.memory_space<vmem>>) target_semaphore(%dma_start3A_375 : memref<!tpu.dma_semaphore, #tpu.memory_space<semaphore_mem>>)
      %get3A_382 = arith.index_cast %add3A_276 : i32 to index
      %get3A_383 = arith.constant 8 : index
      %get3A_384 = memref.load %arg1[%get3A_382, %get3A_383] : memref<100x20xi32, #tpu.memory_space<smem>>
      %dma_start3A_385 = tpu.memref_slice %arg11[%select_n3A_294] : memref<2x!tpu.dma_semaphore, #tpu.memory_space<semaphore_mem>> -> memref<1x!tpu.dma_semaphore, #tpu.memory_space<semaphore_mem>>
      %dma_start3A_386 = tpu.memref_squeeze %dma_start3A_385 : memref<1x!tpu.dma_semaphore, #tpu.memory_space<semaphore_mem>> -> memref<!tpu.dma_semaphore, #tpu.memory_space<semaphore_mem>>
      %dma_start3A_387 = arith.constant 8 : i32
      %dma_start3A_388 = arith.constant 0 : i32
      %dma_start3A_389 = tpu.memref_slice %arg10[%select_n3A_294, %dma_start3A_387, %dma_start3A_388] : memref<2x20x1024xf32, #tpu.memory_space<vmem>> -> memref<1x1x1024xf32, #tpu.memory_space<vmem>>
      %dma_start3A_390 = tpu.memref_squeeze %dma_start3A_389 : memref<1x1x1024xf32, #tpu.memory_space<vmem>> -> memref<1x1024xf32, #tpu.memory_space<vmem>>
      %dma_start3A_391 = arith.constant 0 : i32
      %dma_start3A_392 = tpu.memref_slice %arg3[%get3A_384, %dma_start3A_391] : memref<2048x1024xf32, #tpu.memory_space<any>> -> memref<1x1024xf32, #tpu.memory_space<any>>
      tpu.enqueue_dma source(%dma_start3A_392 : memref<1x1024xf32, #tpu.memory_space<any>>) target(%dma_start3A_390 : memref<1x1024xf32, #tpu.memory_space<vmem>>) target_semaphore(%dma_start3A_386 : memref<!tpu.dma_semaphore, #tpu.memory_space<semaphore_mem>>)
      %get3A_393 = arith.index_cast %add3A_276 : i32 to index
      %get3A_394 = arith.constant 9 : index
      %get3A_395 = memref.load %arg1[%get3A_393, %get3A_394] : memref<100x20xi32, #tpu.memory_space<smem>>
      %dma_start3A_396 = tpu.memref_slice %arg11[%select_n3A_294] : memref<2x!tpu.dma_semaphore, #tpu.memory_space<semaphore_mem>> -> memref<1x!tpu.dma_semaphore, #tpu.memory_space<semaphore_mem>>
      %dma_start3A_397 = tpu.memref_squeeze %dma_start3A_396 : memref<1x!tpu.dma_semaphore, #tpu.memory_space<semaphore_mem>> -> memref<!tpu.dma_semaphore, #tpu.memory_space<semaphore_mem>>
      %dma_start3A_398 = arith.constant 9 : i32
      %dma_start3A_399 = arith.constant 0 : i32
      %dma_start3A_400 = tpu.memref_slice %arg10[%select_n3A_294, %dma_start3A_398, %dma_start3A_399] : memref<2x20x1024xf32, #tpu.memory_space<vmem>> -> memref<1x1x1024xf32, #tpu.memory_space<vmem>>
      %dma_start3A_401 = tpu.memref_squeeze %dma_start3A_400 : memref<1x1x1024xf32, #tpu.memory_space<vmem>> -> memref<1x1024xf32, #tpu.memory_space<vmem>>
      %dma_start3A_402 = arith.constant 0 : i32
      %dma_start3A_403 = tpu.memref_slice %arg3[%get3A_395, %dma_start3A_402] : memref<2048x1024xf32, #tpu.memory_space<any>> -> memref<1x1024xf32, #tpu.memory_space<any>>
      tpu.enqueue_dma source(%dma_start3A_403 : memref<1x1024xf32, #tpu.memory_space<any>>) target(%dma_start3A_401 : memref<1x1024xf32, #tpu.memory_space<vmem>>) target_semaphore(%dma_start3A_397 : memref<!tpu.dma_semaphore, #tpu.memory_space<semaphore_mem>>)
      %get3A_404 = arith.index_cast %add3A_276 : i32 to index
      %get3A_405 = arith.constant 10 : index
      %get3A_406 = memref.load %arg1[%get3A_404, %get3A_405] : memref<100x20xi32, #tpu.memory_space<smem>>
      %dma_start3A_407 = tpu.memref_slice %arg11[%select_n3A_294] : memref<2x!tpu.dma_semaphore, #tpu.memory_space<semaphore_mem>> -> memref<1x!tpu.dma_semaphore, #tpu.memory_space<semaphore_mem>>
      %dma_start3A_408 = tpu.memref_squeeze %dma_start3A_407 : memref<1x!tpu.dma_semaphore, #tpu.memory_space<semaphore_mem>> -> memref<!tpu.dma_semaphore, #tpu.memory_space<semaphore_mem>>
      %dma_start3A_409 = arith.constant 10 : i32
      %dma_start3A_410 = arith.constant 0 : i32
      %dma_start3A_411 = tpu.memref_slice %arg10[%select_n3A_294, %dma_start3A_409, %dma_start3A_410] : memref<2x20x1024xf32, #tpu.memory_space<vmem>> -> memref<1x1x1024xf32, #tpu.memory_space<vmem>>
      %dma_start3A_412 = tpu.memref_squeeze %dma_start3A_411 : memref<1x1x1024xf32, #tpu.memory_space<vmem>> -> memref<1x1024xf32, #tpu.memory_space<vmem>>
      %dma_start3A_413 = arith.constant 0 : i32
      %dma_start3A_414 = tpu.memref_slice %arg3[%get3A_406, %dma_start3A_413] : memref<2048x1024xf32, #tpu.memory_space<any>> -> memref<1x1024xf32, #tpu.memory_space<any>>
      tpu.enqueue_dma source(%dma_start3A_414 : memref<1x1024xf32, #tpu.memory_space<any>>) target(%dma_start3A_412 : memref<1x1024xf32, #tpu.memory_space<vmem>>) target_semaphore(%dma_start3A_408 : memref<!tpu.dma_semaphore, #tpu.memory_space<semaphore_mem>>)
      %get3A_415 = arith.index_cast %add3A_276 : i32 to index
      %get3A_416 = arith.constant 11 : index
      %get3A_417 = memref.load %arg1[%get3A_415, %get3A_416] : memref<100x20xi32, #tpu.memory_space<smem>>
      %dma_start3A_418 = tpu.memref_slice %arg11[%select_n3A_294] : memref<2x!tpu.dma_semaphore, #tpu.memory_space<semaphore_mem>> -> memref<1x!tpu.dma_semaphore, #tpu.memory_space<semaphore_mem>>
      %dma_start3A_419 = tpu.memref_squeeze %dma_start3A_418 : memref<1x!tpu.dma_semaphore, #tpu.memory_space<semaphore_mem>> -> memref<!tpu.dma_semaphore, #tpu.memory_space<semaphore_mem>>
      %dma_start3A_420 = arith.constant 11 : i32
      %dma_start3A_421 = arith.constant 0 : i32
      %dma_start3A_422 = tpu.memref_slice %arg10[%select_n3A_294, %dma_start3A_420, %dma_start3A_421] : memref<2x20x1024xf32, #tpu.memory_space<vmem>> -> memref<1x1x1024xf32, #tpu.memory_space<vmem>>
      %dma_start3A_423 = tpu.memref_squeeze %dma_start3A_422 : memref<1x1x1024xf32, #tpu.memory_space<vmem>> -> memref<1x1024xf32, #tpu.memory_space<vmem>>
      %dma_start3A_424 = arith.constant 0 : i32
      %dma_start3A_425 = tpu.memref_slice %arg3[%get3A_417, %dma_start3A_424] : memref<2048x1024xf32, #tpu.memory_space<any>> -> memref<1x1024xf32, #tpu.memory_space<any>>
      tpu.enqueue_dma source(%dma_start3A_425 : memref<1x1024xf32, #tpu.memory_space<any>>) target(%dma_start3A_423 : memref<1x1024xf32, #tpu.memory_space<vmem>>) target_semaphore(%dma_start3A_419 : memref<!tpu.dma_semaphore, #tpu.memory_space<semaphore_mem>>)
      %get3A_426 = arith.index_cast %add3A_276 : i32 to index
      %get3A_427 = arith.constant 12 : index
      %get3A_428 = memref.load %arg1[%get3A_426, %get3A_427] : memref<100x20xi32, #tpu.memory_space<smem>>
      %dma_start3A_429 = tpu.memref_slice %arg11[%select_n3A_294] : memref<2x!tpu.dma_semaphore, #tpu.memory_space<semaphore_mem>> -> memref<1x!tpu.dma_semaphore, #tpu.memory_space<semaphore_mem>>
      %dma_start3A_430 = tpu.memref_squeeze %dma_start3A_429 : memref<1x!tpu.dma_semaphore, #tpu.memory_space<semaphore_mem>> -> memref<!tpu.dma_semaphore, #tpu.memory_space<semaphore_mem>>
      %dma_start3A_431 = arith.constant 12 : i32
      %dma_start3A_432 = arith.constant 0 : i32
      %dma_start3A_433 = tpu.memref_slice %arg10[%select_n3A_294, %dma_start3A_431, %dma_start3A_432] : memref<2x20x1024xf32, #tpu.memory_space<vmem>> -> memref<1x1x1024xf32, #tpu.memory_space<vmem>>
      %dma_start3A_434 = tpu.memref_squeeze %dma_start3A_433 : memref<1x1x1024xf32, #tpu.memory_space<vmem>> -> memref<1x1024xf32, #tpu.memory_space<vmem>>
      %dma_start3A_435 = arith.constant 0 : i32
      %dma_start3A_436 = tpu.memref_slice %arg3[%get3A_428, %dma_start3A_435] : memref<2048x1024xf32, #tpu.memory_space<any>> -> memref<1x1024xf32, #tpu.memory_space<any>>
      tpu.enqueue_dma source(%dma_start3A_436 : memref<1x1024xf32, #tpu.memory_space<any>>) target(%dma_start3A_434 : memref<1x1024xf32, #tpu.memory_space<vmem>>) target_semaphore(%dma_start3A_430 : memref<!tpu.dma_semaphore, #tpu.memory_space<semaphore_mem>>)
      %get3A_437 = arith.index_cast %add3A_276 : i32 to index
      %get3A_438 = arith.constant 13 : index
      %get3A_439 = memref.load %arg1[%get3A_437, %get3A_438] : memref<100x20xi32, #tpu.memory_space<smem>>
      %dma_start3A_440 = tpu.memref_slice %arg11[%select_n3A_294] : memref<2x!tpu.dma_semaphore, #tpu.memory_space<semaphore_mem>> -> memref<1x!tpu.dma_semaphore, #tpu.memory_space<semaphore_mem>>
      %dma_start3A_441 = tpu.memref_squeeze %dma_start3A_440 : memref<1x!tpu.dma_semaphore, #tpu.memory_space<semaphore_mem>> -> memref<!tpu.dma_semaphore, #tpu.memory_space<semaphore_mem>>
      %dma_start3A_442 = arith.constant 13 : i32
      %dma_start3A_443 = arith.constant 0 : i32
      %dma_start3A_444 = tpu.memref_slice %arg10[%select_n3A_294, %dma_start3A_442, %dma_start3A_443] : memref<2x20x1024xf32, #tpu.memory_space<vmem>> -> memref<1x1x1024xf32, #tpu.memory_space<vmem>>
      %dma_start3A_445 = tpu.memref_squeeze %dma_start3A_444 : memref<1x1x1024xf32, #tpu.memory_space<vmem>> -> memref<1x1024xf32, #tpu.memory_space<vmem>>
      %dma_start3A_446 = arith.constant 0 : i32
      %dma_start3A_447 = tpu.memref_slice %arg3[%get3A_439, %dma_start3A_446] : memref<2048x1024xf32, #tpu.memory_space<any>> -> memref<1x1024xf32, #tpu.memory_space<any>>
      tpu.enqueue_dma source(%dma_start3A_447 : memref<1x1024xf32, #tpu.memory_space<any>>) target(%dma_start3A_445 : memref<1x1024xf32, #tpu.memory_space<vmem>>) target_semaphore(%dma_start3A_441 : memref<!tpu.dma_semaphore, #tpu.memory_space<semaphore_mem>>)
      %get3A_448 = arith.index_cast %add3A_276 : i32 to index
      %get3A_449 = arith.constant 14 : index
      %get3A_450 = memref.load %arg1[%get3A_448, %get3A_449] : memref<100x20xi32, #tpu.memory_space<smem>>
      %dma_start3A_451 = tpu.memref_slice %arg11[%select_n3A_294] : memref<2x!tpu.dma_semaphore, #tpu.memory_space<semaphore_mem>> -> memref<1x!tpu.dma_semaphore, #tpu.memory_space<semaphore_mem>>
      %dma_start3A_452 = tpu.memref_squeeze %dma_start3A_451 : memref<1x!tpu.dma_semaphore, #tpu.memory_space<semaphore_mem>> -> memref<!tpu.dma_semaphore, #tpu.memory_space<semaphore_mem>>
      %dma_start3A_453 = arith.constant 14 : i32
      %dma_start3A_454 = arith.constant 0 : i32
      %dma_start3A_455 = tpu.memref_slice %arg10[%select_n3A_294, %dma_start3A_453, %dma_start3A_454] : memref<2x20x1024xf32, #tpu.memory_space<vmem>> -> memref<1x1x1024xf32, #tpu.memory_space<vmem>>
      %dma_start3A_456 = tpu.memref_squeeze %dma_start3A_455 : memref<1x1x1024xf32, #tpu.memory_space<vmem>> -> memref<1x1024xf32, #tpu.memory_space<vmem>>
      %dma_start3A_457 = arith.constant 0 : i32
      %dma_start3A_458 = tpu.memref_slice %arg3[%get3A_450, %dma_start3A_457] : memref<2048x1024xf32, #tpu.memory_space<any>> -> memref<1x1024xf32, #tpu.memory_space<any>>
      tpu.enqueue_dma source(%dma_start3A_458 : memref<1x1024xf32, #tpu.memory_space<any>>) target(%dma_start3A_456 : memref<1x1024xf32, #tpu.memory_space<vmem>>) target_semaphore(%dma_start3A_452 : memref<!tpu.dma_semaphore, #tpu.memory_space<semaphore_mem>>)
      %get3A_459 = arith.index_cast %add3A_276 : i32 to index
      %get3A_460 = arith.constant 15 : index
      %get3A_461 = memref.load %arg1[%get3A_459, %get3A_460] : memref<100x20xi32, #tpu.memory_space<smem>>
      %dma_start3A_462 = tpu.memref_slice %arg11[%select_n3A_294] : memref<2x!tpu.dma_semaphore, #tpu.memory_space<semaphore_mem>> -> memref<1x!tpu.dma_semaphore, #tpu.memory_space<semaphore_mem>>
      %dma_start3A_463 = tpu.memref_squeeze %dma_start3A_462 : memref<1x!tpu.dma_semaphore, #tpu.memory_space<semaphore_mem>> -> memref<!tpu.dma_semaphore, #tpu.memory_space<semaphore_mem>>
      %dma_start3A_464 = arith.constant 15 : i32
      %dma_start3A_465 = arith.constant 0 : i32
      %dma_start3A_466 = tpu.memref_slice %arg10[%select_n3A_294, %dma_start3A_464, %dma_start3A_465] : memref<2x20x1024xf32, #tpu.memory_space<vmem>> -> memref<1x1x1024xf32, #tpu.memory_space<vmem>>
      %dma_start3A_467 = tpu.memref_squeeze %dma_start3A_466 : memref<1x1x1024xf32, #tpu.memory_space<vmem>> -> memref<1x1024xf32, #tpu.memory_space<vmem>>
      %dma_start3A_468 = arith.constant 0 : i32
      %dma_start3A_469 = tpu.memref_slice %arg3[%get3A_461, %dma_start3A_468] : memref<2048x1024xf32, #tpu.memory_space<any>> -> memref<1x1024xf32, #tpu.memory_space<any>>
      tpu.enqueue_dma source(%dma_start3A_469 : memref<1x1024xf32, #tpu.memory_space<any>>) target(%dma_start3A_467 : memref<1x1024xf32, #tpu.memory_space<vmem>>) target_semaphore(%dma_start3A_463 : memref<!tpu.dma_semaphore, #tpu.memory_space<semaphore_mem>>)
      %get3A_470 = arith.index_cast %add3A_276 : i32 to index
      %get3A_471 = arith.constant 16 : index
      %get3A_472 = memref.load %arg1[%get3A_470, %get3A_471] : memref<100x20xi32, #tpu.memory_space<smem>>
      %dma_start3A_473 = tpu.memref_slice %arg11[%select_n3A_294] : memref<2x!tpu.dma_semaphore, #tpu.memory_space<semaphore_mem>> -> memref<1x!tpu.dma_semaphore, #tpu.memory_space<semaphore_mem>>
      %dma_start3A_474 = tpu.memref_squeeze %dma_start3A_473 : memref<1x!tpu.dma_semaphore, #tpu.memory_space<semaphore_mem>> -> memref<!tpu.dma_semaphore, #tpu.memory_space<semaphore_mem>>
      %dma_start3A_475 = arith.constant 16 : i32
      %dma_start3A_476 = arith.constant 0 : i32
      %dma_start3A_477 = tpu.memref_slice %arg10[%select_n3A_294, %dma_start3A_475, %dma_start3A_476] : memref<2x20x1024xf32, #tpu.memory_space<vmem>> -> memref<1x1x1024xf32, #tpu.memory_space<vmem>>
      %dma_start3A_478 = tpu.memref_squeeze %dma_start3A_477 : memref<1x1x1024xf32, #tpu.memory_space<vmem>> -> memref<1x1024xf32, #tpu.memory_space<vmem>>
      %dma_start3A_479 = arith.constant 0 : i32
      %dma_start3A_480 = tpu.memref_slice %arg3[%get3A_472, %dma_start3A_479] : memref<2048x1024xf32, #tpu.memory_space<any>> -> memref<1x1024xf32, #tpu.memory_space<any>>
      tpu.enqueue_dma source(%dma_start3A_480 : memref<1x1024xf32, #tpu.memory_space<any>>) target(%dma_start3A_478 : memref<1x1024xf32, #tpu.memory_space<vmem>>) target_semaphore(%dma_start3A_474 : memref<!tpu.dma_semaphore, #tpu.memory_space<semaphore_mem>>)
      %get3A_481 = arith.index_cast %add3A_276 : i32 to index
      %get3A_482 = arith.constant 17 : index
      %get3A_483 = memref.load %arg1[%get3A_481, %get3A_482] : memref<100x20xi32, #tpu.memory_space<smem>>
      %dma_start3A_484 = tpu.memref_slice %arg11[%select_n3A_294] : memref<2x!tpu.dma_semaphore, #tpu.memory_space<semaphore_mem>> -> memref<1x!tpu.dma_semaphore, #tpu.memory_space<semaphore_mem>>
      %dma_start3A_485 = tpu.memref_squeeze %dma_start3A_484 : memref<1x!tpu.dma_semaphore, #tpu.memory_space<semaphore_mem>> -> memref<!tpu.dma_semaphore, #tpu.memory_space<semaphore_mem>>
      %dma_start3A_486 = arith.constant 17 : i32
      %dma_start3A_487 = arith.constant 0 : i32
      %dma_start3A_488 = tpu.memref_slice %arg10[%select_n3A_294, %dma_start3A_486, %dma_start3A_487] : memref<2x20x1024xf32, #tpu.memory_space<vmem>> -> memref<1x1x1024xf32, #tpu.memory_space<vmem>>
      %dma_start3A_489 = tpu.memref_squeeze %dma_start3A_488 : memref<1x1x1024xf32, #tpu.memory_space<vmem>> -> memref<1x1024xf32, #tpu.memory_space<vmem>>
      %dma_start3A_490 = arith.constant 0 : i32
      %dma_start3A_491 = tpu.memref_slice %arg3[%get3A_483, %dma_start3A_490] : memref<2048x1024xf32, #tpu.memory_space<any>> -> memref<1x1024xf32, #tpu.memory_space<any>>
      tpu.enqueue_dma source(%dma_start3A_491 : memref<1x1024xf32, #tpu.memory_space<any>>) target(%dma_start3A_489 : memref<1x1024xf32, #tpu.memory_space<vmem>>) target_semaphore(%dma_start3A_485 : memref<!tpu.dma_semaphore, #tpu.memory_space<semaphore_mem>>)
      %get3A_492 = arith.index_cast %add3A_276 : i32 to index
      %get3A_493 = arith.constant 18 : index
      %get3A_494 = memref.load %arg1[%get3A_492, %get3A_493] : memref<100x20xi32, #tpu.memory_space<smem>>
      %dma_start3A_495 = tpu.memref_slice %arg11[%select_n3A_294] : memref<2x!tpu.dma_semaphore, #tpu.memory_space<semaphore_mem>> -> memref<1x!tpu.dma_semaphore, #tpu.memory_space<semaphore_mem>>
      %dma_start3A_496 = tpu.memref_squeeze %dma_start3A_495 : memref<1x!tpu.dma_semaphore, #tpu.memory_space<semaphore_mem>> -> memref<!tpu.dma_semaphore, #tpu.memory_space<semaphore_mem>>
      %dma_start3A_497 = arith.constant 18 : i32
      %dma_start3A_498 = arith.constant 0 : i32
      %dma_start3A_499 = tpu.memref_slice %arg10[%select_n3A_294, %dma_start3A_497, %dma_start3A_498] : memref<2x20x1024xf32, #tpu.memory_space<vmem>> -> memref<1x1x1024xf32, #tpu.memory_space<vmem>>
      %dma_start3A_500 = tpu.memref_squeeze %dma_start3A_499 : memref<1x1x1024xf32, #tpu.memory_space<vmem>> -> memref<1x1024xf32, #tpu.memory_space<vmem>>
      %dma_start3A_501 = arith.constant 0 : i32
      %dma_start3A_502 = tpu.memref_slice %arg3[%get3A_494, %dma_start3A_501] : memref<2048x1024xf32, #tpu.memory_space<any>> -> memref<1x1024xf32, #tpu.memory_space<any>>
      tpu.enqueue_dma source(%dma_start3A_502 : memref<1x1024xf32, #tpu.memory_space<any>>) target(%dma_start3A_500 : memref<1x1024xf32, #tpu.memory_space<vmem>>) target_semaphore(%dma_start3A_496 : memref<!tpu.dma_semaphore, #tpu.memory_space<semaphore_mem>>)
      %get3A_503 = arith.index_cast %add3A_276 : i32 to index
      %get3A_504 = arith.constant 19 : index
      %get3A_505 = memref.load %arg1[%get3A_503, %get3A_504] : memref<100x20xi32, #tpu.memory_space<smem>>
      %dma_start3A_506 = tpu.memref_slice %arg11[%select_n3A_294] : memref<2x!tpu.dma_semaphore, #tpu.memory_space<semaphore_mem>> -> memref<1x!tpu.dma_semaphore, #tpu.memory_space<semaphore_mem>>
      %dma_start3A_507 = tpu.memref_squeeze %dma_start3A_506 : memref<1x!tpu.dma_semaphore, #tpu.memory_space<semaphore_mem>> -> memref<!tpu.dma_semaphore, #tpu.memory_space<semaphore_mem>>
      %dma_start3A_508 = arith.constant 19 : i32
      %dma_start3A_509 = arith.constant 0 : i32
      %dma_start3A_510 = tpu.memref_slice %arg10[%select_n3A_294, %dma_start3A_508, %dma_start3A_509] : memref<2x20x1024xf32, #tpu.memory_space<vmem>> -> memref<1x1x1024xf32, #tpu.memory_space<vmem>>
      %dma_start3A_511 = tpu.memref_squeeze %dma_start3A_510 : memref<1x1x1024xf32, #tpu.memory_space<vmem>> -> memref<1x1024xf32, #tpu.memory_space<vmem>>
      %dma_start3A_512 = arith.constant 0 : i32
      %dma_start3A_513 = tpu.memref_slice %arg3[%get3A_505, %dma_start3A_512] : memref<2048x1024xf32, #tpu.memory_space<any>> -> memref<1x1024xf32, #tpu.memory_space<any>>
      tpu.enqueue_dma source(%dma_start3A_513 : memref<1x1024xf32, #tpu.memory_space<any>>) target(%dma_start3A_511 : memref<1x1024xf32, #tpu.memory_space<vmem>>) target_semaphore(%dma_start3A_507 : memref<!tpu.dma_semaphore, #tpu.memory_space<semaphore_mem>>)
    } else {
    }
    %jit3A = arith.constant 2 : i32
    %eq3A_7 = arith.constant 0 : i32
    %eq3A_8 = arith.cmpi eq, %jit3A, %eq3A_7 : i32
    %jit3A_9 = arith.constant 1 : i32
    %select_n3A = arith.select %eq3A_8, %jit3A_9, %jit3A : i32
    %rem3A = arith.remsi %arg0, %select_n3A : i32
    %ne3A = arith.constant 0 : i32
    %ne3A_10 = arith.cmpi ne, %rem3A, %ne3A : i32
    %lt3A_11 = arith.constant 0 : i32
    %lt3A_12 = arith.cmpi slt, %rem3A, %lt3A_11 : i32
    %lt3A_13 = arith.constant 0 : i32
    %lt3A_14 = arith.cmpi slt, %select_n3A, %lt3A_13 : i32
    %ne3A_15 = arith.xori %lt3A_12, %lt3A_14 : i1
    %and3A = arith.andi %ne3A_15, %ne3A_10 : i1
    %add3A_16 = arith.addi %rem3A, %select_n3A : i32
    %select_n3A_17 = arith.select %and3A, %add3A_16, %rem3A : i32
    %get3A = arith.index_cast %arg0 : i32 to index
    %get3A_18 = arith.constant 0 : index
    %get3A_19 = memref.load %arg1[%get3A, %get3A_18] : memref<100x20xi32, #tpu.memory_space<smem>>
    %dma_wait3A = tpu.memref_slice %arg11[%select_n3A_17] : memref<2x!tpu.dma_semaphore, #tpu.memory_space<semaphore_mem>> -> memref<1x!tpu.dma_semaphore, #tpu.memory_space<semaphore_mem>>
    %dma_wait3A_20 = tpu.memref_squeeze %dma_wait3A : memref<1x!tpu.dma_semaphore, #tpu.memory_space<semaphore_mem>> -> memref<!tpu.dma_semaphore, #tpu.memory_space<semaphore_mem>>
    %dma_wait3A_21 = arith.constant 0 : i32
    %dma_wait3A_22 = arith.constant 0 : i32
    %dma_wait3A_23 = tpu.memref_slice %arg10[%select_n3A_17, %dma_wait3A_21, %dma_wait3A_22] : memref<2x20x1024xf32, #tpu.memory_space<vmem>> -> memref<1x1x1024xf32, #tpu.memory_space<vmem>>
    %dma_wait3A_24 = tpu.memref_squeeze %dma_wait3A_23 : memref<1x1x1024xf32, #tpu.memory_space<vmem>> -> memref<1x1024xf32, #tpu.memory_space<vmem>>
    %dma_wait3A_25 = arith.constant 0 : i32
    %dma_wait3A_26 = tpu.memref_slice %arg3[%get3A_19, %dma_wait3A_25] : memref<2048x1024xf32, #tpu.memory_space<any>> -> memref<1x1024xf32, #tpu.memory_space<any>>
    tpu.wait_dma2 semaphore(%dma_wait3A_20 : memref<!tpu.dma_semaphore, #tpu.memory_space<semaphore_mem>>) src(%dma_wait3A_26 : memref<1x1024xf32, #tpu.memory_space<any>>) dst(%dma_wait3A_24 : memref<1x1024xf32, #tpu.memory_space<vmem>>)
    %get3A_27 = arith.index_cast %arg0 : i32 to index
    %get3A_28 = arith.constant 1 : index
    %get3A_29 = memref.load %arg1[%get3A_27, %get3A_28] : memref<100x20xi32, #tpu.memory_space<smem>>
    %dma_wait3A_30 = tpu.memref_slice %arg11[%select_n3A_17] : memref<2x!tpu.dma_semaphore, #tpu.memory_space<semaphore_mem>> -> memref<1x!tpu.dma_semaphore, #tpu.memory_space<semaphore_mem>>
    %dma_wait3A_31 = tpu.memref_squeeze %dma_wait3A_30 : memref<1x!tpu.dma_semaphore, #tpu.memory_space<semaphore_mem>> -> memref<!tpu.dma_semaphore, #tpu.memory_space<semaphore_mem>>
    %dma_wait3A_32 = arith.constant 1 : i32
    %dma_wait3A_33 = arith.constant 0 : i32
    %dma_wait3A_34 = tpu.memref_slice %arg10[%select_n3A_17, %dma_wait3A_32, %dma_wait3A_33] : memref<2x20x1024xf32, #tpu.memory_space<vmem>> -> memref<1x1x1024xf32, #tpu.memory_space<vmem>>
    %dma_wait3A_35 = tpu.memref_squeeze %dma_wait3A_34 : memref<1x1x1024xf32, #tpu.memory_space<vmem>> -> memref<1x1024xf32, #tpu.memory_space<vmem>>
    %dma_wait3A_36 = arith.constant 0 : i32
    %dma_wait3A_37 = tpu.memref_slice %arg3[%get3A_29, %dma_wait3A_36] : memref<2048x1024xf32, #tpu.memory_space<any>> -> memref<1x1024xf32, #tpu.memory_space<any>>
    tpu.wait_dma2 semaphore(%dma_wait3A_31 : memref<!tpu.dma_semaphore, #tpu.memory_space<semaphore_mem>>) src(%dma_wait3A_37 : memref<1x1024xf32, #tpu.memory_space<any>>) dst(%dma_wait3A_35 : memref<1x1024xf32, #tpu.memory_space<vmem>>)
    %get3A_38 = arith.index_cast %arg0 : i32 to index
    %get3A_39 = arith.constant 2 : index
    %get3A_40 = memref.load %arg1[%get3A_38, %get3A_39] : memref<100x20xi32, #tpu.memory_space<smem>>
    %dma_wait3A_41 = tpu.memref_slice %arg11[%select_n3A_17] : memref<2x!tpu.dma_semaphore, #tpu.memory_space<semaphore_mem>> -> memref<1x!tpu.dma_semaphore, #tpu.memory_space<semaphore_mem>>
    %dma_wait3A_42 = tpu.memref_squeeze %dma_wait3A_41 : memref<1x!tpu.dma_semaphore, #tpu.memory_space<semaphore_mem>> -> memref<!tpu.dma_semaphore, #tpu.memory_space<semaphore_mem>>
    %dma_wait3A_43 = arith.constant 2 : i32
    %dma_wait3A_44 = arith.constant 0 : i32
    %dma_wait3A_45 = tpu.memref_slice %arg10[%select_n3A_17, %dma_wait3A_43, %dma_wait3A_44] : memref<2x20x1024xf32, #tpu.memory_space<vmem>> -> memref<1x1x1024xf32, #tpu.memory_space<vmem>>
    %dma_wait3A_46 = tpu.memref_squeeze %dma_wait3A_45 : memref<1x1x1024xf32, #tpu.memory_space<vmem>> -> memref<1x1024xf32, #tpu.memory_space<vmem>>
    %dma_wait3A_47 = arith.constant 0 : i32
    %dma_wait3A_48 = tpu.memref_slice %arg3[%get3A_40, %dma_wait3A_47] : memref<2048x1024xf32, #tpu.memory_space<any>> -> memref<1x1024xf32, #tpu.memory_space<any>>
    tpu.wait_dma2 semaphore(%dma_wait3A_42 : memref<!tpu.dma_semaphore, #tpu.memory_space<semaphore_mem>>) src(%dma_wait3A_48 : memref<1x1024xf32, #tpu.memory_space<any>>) dst(%dma_wait3A_46 : memref<1x1024xf32, #tpu.memory_space<vmem>>)
    %get3A_49 = arith.index_cast %arg0 : i32 to index
    %get3A_50 = arith.constant 3 : index
    %get3A_51 = memref.load %arg1[%get3A_49, %get3A_50] : memref<100x20xi32, #tpu.memory_space<smem>>
    %dma_wait3A_52 = tpu.memref_slice %arg11[%select_n3A_17] : memref<2x!tpu.dma_semaphore, #tpu.memory_space<semaphore_mem>> -> memref<1x!tpu.dma_semaphore, #tpu.memory_space<semaphore_mem>>
    %dma_wait3A_53 = tpu.memref_squeeze %dma_wait3A_52 : memref<1x!tpu.dma_semaphore, #tpu.memory_space<semaphore_mem>> -> memref<!tpu.dma_semaphore, #tpu.memory_space<semaphore_mem>>
    %dma_wait3A_54 = arith.constant 3 : i32
    %dma_wait3A_55 = arith.constant 0 : i32
    %dma_wait3A_56 = tpu.memref_slice %arg10[%select_n3A_17, %dma_wait3A_54, %dma_wait3A_55] : memref<2x20x1024xf32, #tpu.memory_space<vmem>> -> memref<1x1x1024xf32, #tpu.memory_space<vmem>>
    %dma_wait3A_57 = tpu.memref_squeeze %dma_wait3A_56 : memref<1x1x1024xf32, #tpu.memory_space<vmem>> -> memref<1x1024xf32, #tpu.memory_space<vmem>>
    %dma_wait3A_58 = arith.constant 0 : i32
    %dma_wait3A_59 = tpu.memref_slice %arg3[%get3A_51, %dma_wait3A_58] : memref<2048x1024xf32, #tpu.memory_space<any>> -> memref<1x1024xf32, #tpu.memory_space<any>>
    tpu.wait_dma2 semaphore(%dma_wait3A_53 : memref<!tpu.dma_semaphore, #tpu.memory_space<semaphore_mem>>) src(%dma_wait3A_59 : memref<1x1024xf32, #tpu.memory_space<any>>) dst(%dma_wait3A_57 : memref<1x1024xf32, #tpu.memory_space<vmem>>)
    %get3A_60 = arith.index_cast %arg0 : i32 to index
    %get3A_61 = arith.constant 4 : index
    %get3A_62 = memref.load %arg1[%get3A_60, %get3A_61] : memref<100x20xi32, #tpu.memory_space<smem>>
    %dma_wait3A_63 = tpu.memref_slice %arg11[%select_n3A_17] : memref<2x!tpu.dma_semaphore, #tpu.memory_space<semaphore_mem>> -> memref<1x!tpu.dma_semaphore, #tpu.memory_space<semaphore_mem>>
    %dma_wait3A_64 = tpu.memref_squeeze %dma_wait3A_63 : memref<1x!tpu.dma_semaphore, #tpu.memory_space<semaphore_mem>> -> memref<!tpu.dma_semaphore, #tpu.memory_space<semaphore_mem>>
    %dma_wait3A_65 = arith.constant 4 : i32
    %dma_wait3A_66 = arith.constant 0 : i32
    %dma_wait3A_67 = tpu.memref_slice %arg10[%select_n3A_17, %dma_wait3A_65, %dma_wait3A_66] : memref<2x20x1024xf32, #tpu.memory_space<vmem>> -> memref<1x1x1024xf32, #tpu.memory_space<vmem>>
    %dma_wait3A_68 = tpu.memref_squeeze %dma_wait3A_67 : memref<1x1x1024xf32, #tpu.memory_space<vmem>> -> memref<1x1024xf32, #tpu.memory_space<vmem>>
    %dma_wait3A_69 = arith.constant 0 : i32
    %dma_wait3A_70 = tpu.memref_slice %arg3[%get3A_62, %dma_wait3A_69] : memref<2048x1024xf32, #tpu.memory_space<any>> -> memref<1x1024xf32, #tpu.memory_space<any>>
    tpu.wait_dma2 semaphore(%dma_wait3A_64 : memref<!tpu.dma_semaphore, #tpu.memory_space<semaphore_mem>>) src(%dma_wait3A_70 : memref<1x1024xf32, #tpu.memory_space<any>>) dst(%dma_wait3A_68 : memref<1x1024xf32, #tpu.memory_space<vmem>>)
    %get3A_71 = arith.index_cast %arg0 : i32 to index
    %get3A_72 = arith.constant 5 : index
    %get3A_73 = memref.load %arg1[%get3A_71, %get3A_72] : memref<100x20xi32, #tpu.memory_space<smem>>
    %dma_wait3A_74 = tpu.memref_slice %arg11[%select_n3A_17] : memref<2x!tpu.dma_semaphore, #tpu.memory_space<semaphore_mem>> -> memref<1x!tpu.dma_semaphore, #tpu.memory_space<semaphore_mem>>
    %dma_wait3A_75 = tpu.memref_squeeze %dma_wait3A_74 : memref<1x!tpu.dma_semaphore, #tpu.memory_space<semaphore_mem>> -> memref<!tpu.dma_semaphore, #tpu.memory_space<semaphore_mem>>
    %dma_wait3A_76 = arith.constant 5 : i32
    %dma_wait3A_77 = arith.constant 0 : i32
    %dma_wait3A_78 = tpu.memref_slice %arg10[%select_n3A_17, %dma_wait3A_76, %dma_wait3A_77] : memref<2x20x1024xf32, #tpu.memory_space<vmem>> -> memref<1x1x1024xf32, #tpu.memory_space<vmem>>
    %dma_wait3A_79 = tpu.memref_squeeze %dma_wait3A_78 : memref<1x1x1024xf32, #tpu.memory_space<vmem>> -> memref<1x1024xf32, #tpu.memory_space<vmem>>
    %dma_wait3A_80 = arith.constant 0 : i32
    %dma_wait3A_81 = tpu.memref_slice %arg3[%get3A_73, %dma_wait3A_80] : memref<2048x1024xf32, #tpu.memory_space<any>> -> memref<1x1024xf32, #tpu.memory_space<any>>
    tpu.wait_dma2 semaphore(%dma_wait3A_75 : memref<!tpu.dma_semaphore, #tpu.memory_space<semaphore_mem>>) src(%dma_wait3A_81 : memref<1x1024xf32, #tpu.memory_space<any>>) dst(%dma_wait3A_79 : memref<1x1024xf32, #tpu.memory_space<vmem>>)
    %get3A_82 = arith.index_cast %arg0 : i32 to index
    %get3A_83 = arith.constant 6 : index
    %get3A_84 = memref.load %arg1[%get3A_82, %get3A_83] : memref<100x20xi32, #tpu.memory_space<smem>>
    %dma_wait3A_85 = tpu.memref_slice %arg11[%select_n3A_17] : memref<2x!tpu.dma_semaphore, #tpu.memory_space<semaphore_mem>> -> memref<1x!tpu.dma_semaphore, #tpu.memory_space<semaphore_mem>>
    %dma_wait3A_86 = tpu.memref_squeeze %dma_wait3A_85 : memref<1x!tpu.dma_semaphore, #tpu.memory_space<semaphore_mem>> -> memref<!tpu.dma_semaphore, #tpu.memory_space<semaphore_mem>>
    %dma_wait3A_87 = arith.constant 6 : i32
    %dma_wait3A_88 = arith.constant 0 : i32
    %dma_wait3A_89 = tpu.memref_slice %arg10[%select_n3A_17, %dma_wait3A_87, %dma_wait3A_88] : memref<2x20x1024xf32, #tpu.memory_space<vmem>> -> memref<1x1x1024xf32, #tpu.memory_space<vmem>>
    %dma_wait3A_90 = tpu.memref_squeeze %dma_wait3A_89 : memref<1x1x1024xf32, #tpu.memory_space<vmem>> -> memref<1x1024xf32, #tpu.memory_space<vmem>>
    %dma_wait3A_91 = arith.constant 0 : i32
    %dma_wait3A_92 = tpu.memref_slice %arg3[%get3A_84, %dma_wait3A_91] : memref<2048x1024xf32, #tpu.memory_space<any>> -> memref<1x1024xf32, #tpu.memory_space<any>>
    tpu.wait_dma2 semaphore(%dma_wait3A_86 : memref<!tpu.dma_semaphore, #tpu.memory_space<semaphore_mem>>) src(%dma_wait3A_92 : memref<1x1024xf32, #tpu.memory_space<any>>) dst(%dma_wait3A_90 : memref<1x1024xf32, #tpu.memory_space<vmem>>)
    %get3A_93 = arith.index_cast %arg0 : i32 to index
    %get3A_94 = arith.constant 7 : index
    %get3A_95 = memref.load %arg1[%get3A_93, %get3A_94] : memref<100x20xi32, #tpu.memory_space<smem>>
    %dma_wait3A_96 = tpu.memref_slice %arg11[%select_n3A_17] : memref<2x!tpu.dma_semaphore, #tpu.memory_space<semaphore_mem>> -> memref<1x!tpu.dma_semaphore, #tpu.memory_space<semaphore_mem>>
    %dma_wait3A_97 = tpu.memref_squeeze %dma_wait3A_96 : memref<1x!tpu.dma_semaphore, #tpu.memory_space<semaphore_mem>> -> memref<!tpu.dma_semaphore, #tpu.memory_space<semaphore_mem>>
    %dma_wait3A_98 = arith.constant 7 : i32
    %dma_wait3A_99 = arith.constant 0 : i32
    %dma_wait3A_100 = tpu.memref_slice %arg10[%select_n3A_17, %dma_wait3A_98, %dma_wait3A_99] : memref<2x20x1024xf32, #tpu.memory_space<vmem>> -> memref<1x1x1024xf32, #tpu.memory_space<vmem>>
    %dma_wait3A_101 = tpu.memref_squeeze %dma_wait3A_100 : memref<1x1x1024xf32, #tpu.memory_space<vmem>> -> memref<1x1024xf32, #tpu.memory_space<vmem>>
    %dma_wait3A_102 = arith.constant 0 : i32
    %dma_wait3A_103 = tpu.memref_slice %arg3[%get3A_95, %dma_wait3A_102] : memref<2048x1024xf32, #tpu.memory_space<any>> -> memref<1x1024xf32, #tpu.memory_space<any>>
    tpu.wait_dma2 semaphore(%dma_wait3A_97 : memref<!tpu.dma_semaphore, #tpu.memory_space<semaphore_mem>>) src(%dma_wait3A_103 : memref<1x1024xf32, #tpu.memory_space<any>>) dst(%dma_wait3A_101 : memref<1x1024xf32, #tpu.memory_space<vmem>>)
    %get3A_104 = arith.index_cast %arg0 : i32 to index
    %get3A_105 = arith.constant 8 : index
    %get3A_106 = memref.load %arg1[%get3A_104, %get3A_105] : memref<100x20xi32, #tpu.memory_space<smem>>
    %dma_wait3A_107 = tpu.memref_slice %arg11[%select_n3A_17] : memref<2x!tpu.dma_semaphore, #tpu.memory_space<semaphore_mem>> -> memref<1x!tpu.dma_semaphore, #tpu.memory_space<semaphore_mem>>
    %dma_wait3A_108 = tpu.memref_squeeze %dma_wait3A_107 : memref<1x!tpu.dma_semaphore, #tpu.memory_space<semaphore_mem>> -> memref<!tpu.dma_semaphore, #tpu.memory_space<semaphore_mem>>
    %dma_wait3A_109 = arith.constant 8 : i32
    %dma_wait3A_110 = arith.constant 0 : i32
    %dma_wait3A_111 = tpu.memref_slice %arg10[%select_n3A_17, %dma_wait3A_109, %dma_wait3A_110] : memref<2x20x1024xf32, #tpu.memory_space<vmem>> -> memref<1x1x1024xf32, #tpu.memory_space<vmem>>
    %dma_wait3A_112 = tpu.memref_squeeze %dma_wait3A_111 : memref<1x1x1024xf32, #tpu.memory_space<vmem>> -> memref<1x1024xf32, #tpu.memory_space<vmem>>
    %dma_wait3A_113 = arith.constant 0 : i32
    %dma_wait3A_114 = tpu.memref_slice %arg3[%get3A_106, %dma_wait3A_113] : memref<2048x1024xf32, #tpu.memory_space<any>> -> memref<1x1024xf32, #tpu.memory_space<any>>
    tpu.wait_dma2 semaphore(%dma_wait3A_108 : memref<!tpu.dma_semaphore, #tpu.memory_space<semaphore_mem>>) src(%dma_wait3A_114 : memref<1x1024xf32, #tpu.memory_space<any>>) dst(%dma_wait3A_112 : memref<1x1024xf32, #tpu.memory_space<vmem>>)
    %get3A_115 = arith.index_cast %arg0 : i32 to index
    %get3A_116 = arith.constant 9 : index
    %get3A_117 = memref.load %arg1[%get3A_115, %get3A_116] : memref<100x20xi32, #tpu.memory_space<smem>>
    %dma_wait3A_118 = tpu.memref_slice %arg11[%select_n3A_17] : memref<2x!tpu.dma_semaphore, #tpu.memory_space<semaphore_mem>> -> memref<1x!tpu.dma_semaphore, #tpu.memory_space<semaphore_mem>>
    %dma_wait3A_119 = tpu.memref_squeeze %dma_wait3A_118 : memref<1x!tpu.dma_semaphore, #tpu.memory_space<semaphore_mem>> -> memref<!tpu.dma_semaphore, #tpu.memory_space<semaphore_mem>>
    %dma_wait3A_120 = arith.constant 9 : i32
    %dma_wait3A_121 = arith.constant 0 : i32
    %dma_wait3A_122 = tpu.memref_slice %arg10[%select_n3A_17, %dma_wait3A_120, %dma_wait3A_121] : memref<2x20x1024xf32, #tpu.memory_space<vmem>> -> memref<1x1x1024xf32, #tpu.memory_space<vmem>>
    %dma_wait3A_123 = tpu.memref_squeeze %dma_wait3A_122 : memref<1x1x1024xf32, #tpu.memory_space<vmem>> -> memref<1x1024xf32, #tpu.memory_space<vmem>>
    %dma_wait3A_124 = arith.constant 0 : i32
    %dma_wait3A_125 = tpu.memref_slice %arg3[%get3A_117, %dma_wait3A_124] : memref<2048x1024xf32, #tpu.memory_space<any>> -> memref<1x1024xf32, #tpu.memory_space<any>>
    tpu.wait_dma2 semaphore(%dma_wait3A_119 : memref<!tpu.dma_semaphore, #tpu.memory_space<semaphore_mem>>) src(%dma_wait3A_125 : memref<1x1024xf32, #tpu.memory_space<any>>) dst(%dma_wait3A_123 : memref<1x1024xf32, #tpu.memory_space<vmem>>)
    %get3A_126 = arith.index_cast %arg0 : i32 to index
    %get3A_127 = arith.constant 10 : index
    %get3A_128 = memref.load %arg1[%get3A_126, %get3A_127] : memref<100x20xi32, #tpu.memory_space<smem>>
    %dma_wait3A_129 = tpu.memref_slice %arg11[%select_n3A_17] : memref<2x!tpu.dma_semaphore, #tpu.memory_space<semaphore_mem>> -> memref<1x!tpu.dma_semaphore, #tpu.memory_space<semaphore_mem>>
    %dma_wait3A_130 = tpu.memref_squeeze %dma_wait3A_129 : memref<1x!tpu.dma_semaphore, #tpu.memory_space<semaphore_mem>> -> memref<!tpu.dma_semaphore, #tpu.memory_space<semaphore_mem>>
    %dma_wait3A_131 = arith.constant 10 : i32
    %dma_wait3A_132 = arith.constant 0 : i32
    %dma_wait3A_133 = tpu.memref_slice %arg10[%select_n3A_17, %dma_wait3A_131, %dma_wait3A_132] : memref<2x20x1024xf32, #tpu.memory_space<vmem>> -> memref<1x1x1024xf32, #tpu.memory_space<vmem>>
    %dma_wait3A_134 = tpu.memref_squeeze %dma_wait3A_133 : memref<1x1x1024xf32, #tpu.memory_space<vmem>> -> memref<1x1024xf32, #tpu.memory_space<vmem>>
    %dma_wait3A_135 = arith.constant 0 : i32
    %dma_wait3A_136 = tpu.memref_slice %arg3[%get3A_128, %dma_wait3A_135] : memref<2048x1024xf32, #tpu.memory_space<any>> -> memref<1x1024xf32, #tpu.memory_space<any>>
    tpu.wait_dma2 semaphore(%dma_wait3A_130 : memref<!tpu.dma_semaphore, #tpu.memory_space<semaphore_mem>>) src(%dma_wait3A_136 : memref<1x1024xf32, #tpu.memory_space<any>>) dst(%dma_wait3A_134 : memref<1x1024xf32, #tpu.memory_space<vmem>>)
    %get3A_137 = arith.index_cast %arg0 : i32 to index
    %get3A_138 = arith.constant 11 : index
    %get3A_139 = memref.load %arg1[%get3A_137, %get3A_138] : memref<100x20xi32, #tpu.memory_space<smem>>
    %dma_wait3A_140 = tpu.memref_slice %arg11[%select_n3A_17] : memref<2x!tpu.dma_semaphore, #tpu.memory_space<semaphore_mem>> -> memref<1x!tpu.dma_semaphore, #tpu.memory_space<semaphore_mem>>
    %dma_wait3A_141 = tpu.memref_squeeze %dma_wait3A_140 : memref<1x!tpu.dma_semaphore, #tpu.memory_space<semaphore_mem>> -> memref<!tpu.dma_semaphore, #tpu.memory_space<semaphore_mem>>
    %dma_wait3A_142 = arith.constant 11 : i32
    %dma_wait3A_143 = arith.constant 0 : i32
    %dma_wait3A_144 = tpu.memref_slice %arg10[%select_n3A_17, %dma_wait3A_142, %dma_wait3A_143] : memref<2x20x1024xf32, #tpu.memory_space<vmem>> -> memref<1x1x1024xf32, #tpu.memory_space<vmem>>
    %dma_wait3A_145 = tpu.memref_squeeze %dma_wait3A_144 : memref<1x1x1024xf32, #tpu.memory_space<vmem>> -> memref<1x1024xf32, #tpu.memory_space<vmem>>
    %dma_wait3A_146 = arith.constant 0 : i32
    %dma_wait3A_147 = tpu.memref_slice %arg3[%get3A_139, %dma_wait3A_146] : memref<2048x1024xf32, #tpu.memory_space<any>> -> memref<1x1024xf32, #tpu.memory_space<any>>
    tpu.wait_dma2 semaphore(%dma_wait3A_141 : memref<!tpu.dma_semaphore, #tpu.memory_space<semaphore_mem>>) src(%dma_wait3A_147 : memref<1x1024xf32, #tpu.memory_space<any>>) dst(%dma_wait3A_145 : memref<1x1024xf32, #tpu.memory_space<vmem>>)
    %get3A_148 = arith.index_cast %arg0 : i32 to index
    %get3A_149 = arith.constant 12 : index
    %get3A_150 = memref.load %arg1[%get3A_148, %get3A_149] : memref<100x20xi32, #tpu.memory_space<smem>>
    %dma_wait3A_151 = tpu.memref_slice %arg11[%select_n3A_17] : memref<2x!tpu.dma_semaphore, #tpu.memory_space<semaphore_mem>> -> memref<1x!tpu.dma_semaphore, #tpu.memory_space<semaphore_mem>>
    %dma_wait3A_152 = tpu.memref_squeeze %dma_wait3A_151 : memref<1x!tpu.dma_semaphore, #tpu.memory_space<semaphore_mem>> -> memref<!tpu.dma_semaphore, #tpu.memory_space<semaphore_mem>>
    %dma_wait3A_153 = arith.constant 12 : i32
    %dma_wait3A_154 = arith.constant 0 : i32
    %dma_wait3A_155 = tpu.memref_slice %arg10[%select_n3A_17, %dma_wait3A_153, %dma_wait3A_154] : memref<2x20x1024xf32, #tpu.memory_space<vmem>> -> memref<1x1x1024xf32, #tpu.memory_space<vmem>>
    %dma_wait3A_156 = tpu.memref_squeeze %dma_wait3A_155 : memref<1x1x1024xf32, #tpu.memory_space<vmem>> -> memref<1x1024xf32, #tpu.memory_space<vmem>>
    %dma_wait3A_157 = arith.constant 0 : i32
    %dma_wait3A_158 = tpu.memref_slice %arg3[%get3A_150, %dma_wait3A_157] : memref<2048x1024xf32, #tpu.memory_space<any>> -> memref<1x1024xf32, #tpu.memory_space<any>>
    tpu.wait_dma2 semaphore(%dma_wait3A_152 : memref<!tpu.dma_semaphore, #tpu.memory_space<semaphore_mem>>) src(%dma_wait3A_158 : memref<1x1024xf32, #tpu.memory_space<any>>) dst(%dma_wait3A_156 : memref<1x1024xf32, #tpu.memory_space<vmem>>)
    %get3A_159 = arith.index_cast %arg0 : i32 to index
    %get3A_160 = arith.constant 13 : index
    %get3A_161 = memref.load %arg1[%get3A_159, %get3A_160] : memref<100x20xi32, #tpu.memory_space<smem>>
    %dma_wait3A_162 = tpu.memref_slice %arg11[%select_n3A_17] : memref<2x!tpu.dma_semaphore, #tpu.memory_space<semaphore_mem>> -> memref<1x!tpu.dma_semaphore, #tpu.memory_space<semaphore_mem>>
    %dma_wait3A_163 = tpu.memref_squeeze %dma_wait3A_162 : memref<1x!tpu.dma_semaphore, #tpu.memory_space<semaphore_mem>> -> memref<!tpu.dma_semaphore, #tpu.memory_space<semaphore_mem>>
    %dma_wait3A_164 = arith.constant 13 : i32
    %dma_wait3A_165 = arith.constant 0 : i32
    %dma_wait3A_166 = tpu.memref_slice %arg10[%select_n3A_17, %dma_wait3A_164, %dma_wait3A_165] : memref<2x20x1024xf32, #tpu.memory_space<vmem>> -> memref<1x1x1024xf32, #tpu.memory_space<vmem>>
    %dma_wait3A_167 = tpu.memref_squeeze %dma_wait3A_166 : memref<1x1x1024xf32, #tpu.memory_space<vmem>> -> memref<1x1024xf32, #tpu.memory_space<vmem>>
    %dma_wait3A_168 = arith.constant 0 : i32
    %dma_wait3A_169 = tpu.memref_slice %arg3[%get3A_161, %dma_wait3A_168] : memref<2048x1024xf32, #tpu.memory_space<any>> -> memref<1x1024xf32, #tpu.memory_space<any>>
    tpu.wait_dma2 semaphore(%dma_wait3A_163 : memref<!tpu.dma_semaphore, #tpu.memory_space<semaphore_mem>>) src(%dma_wait3A_169 : memref<1x1024xf32, #tpu.memory_space<any>>) dst(%dma_wait3A_167 : memref<1x1024xf32, #tpu.memory_space<vmem>>)
    %get3A_170 = arith.index_cast %arg0 : i32 to index
    %get3A_171 = arith.constant 14 : index
    %get3A_172 = memref.load %arg1[%get3A_170, %get3A_171] : memref<100x20xi32, #tpu.memory_space<smem>>
    %dma_wait3A_173 = tpu.memref_slice %arg11[%select_n3A_17] : memref<2x!tpu.dma_semaphore, #tpu.memory_space<semaphore_mem>> -> memref<1x!tpu.dma_semaphore, #tpu.memory_space<semaphore_mem>>
    %dma_wait3A_174 = tpu.memref_squeeze %dma_wait3A_173 : memref<1x!tpu.dma_semaphore, #tpu.memory_space<semaphore_mem>> -> memref<!tpu.dma_semaphore, #tpu.memory_space<semaphore_mem>>
    %dma_wait3A_175 = arith.constant 14 : i32
    %dma_wait3A_176 = arith.constant 0 : i32
    %dma_wait3A_177 = tpu.memref_slice %arg10[%select_n3A_17, %dma_wait3A_175, %dma_wait3A_176] : memref<2x20x1024xf32, #tpu.memory_space<vmem>> -> memref<1x1x1024xf32, #tpu.memory_space<vmem>>
    %dma_wait3A_178 = tpu.memref_squeeze %dma_wait3A_177 : memref<1x1x1024xf32, #tpu.memory_space<vmem>> -> memref<1x1024xf32, #tpu.memory_space<vmem>>
    %dma_wait3A_179 = arith.constant 0 : i32
    %dma_wait3A_180 = tpu.memref_slice %arg3[%get3A_172, %dma_wait3A_179] : memref<2048x1024xf32, #tpu.memory_space<any>> -> memref<1x1024xf32, #tpu.memory_space<any>>
    tpu.wait_dma2 semaphore(%dma_wait3A_174 : memref<!tpu.dma_semaphore, #tpu.memory_space<semaphore_mem>>) src(%dma_wait3A_180 : memref<1x1024xf32, #tpu.memory_space<any>>) dst(%dma_wait3A_178 : memref<1x1024xf32, #tpu.memory_space<vmem>>)
    %get3A_181 = arith.index_cast %arg0 : i32 to index
    %get3A_182 = arith.constant 15 : index
    %get3A_183 = memref.load %arg1[%get3A_181, %get3A_182] : memref<100x20xi32, #tpu.memory_space<smem>>
    %dma_wait3A_184 = tpu.memref_slice %arg11[%select_n3A_17] : memref<2x!tpu.dma_semaphore, #tpu.memory_space<semaphore_mem>> -> memref<1x!tpu.dma_semaphore, #tpu.memory_space<semaphore_mem>>
    %dma_wait3A_185 = tpu.memref_squeeze %dma_wait3A_184 : memref<1x!tpu.dma_semaphore, #tpu.memory_space<semaphore_mem>> -> memref<!tpu.dma_semaphore, #tpu.memory_space<semaphore_mem>>
    %dma_wait3A_186 = arith.constant 15 : i32
    %dma_wait3A_187 = arith.constant 0 : i32
    %dma_wait3A_188 = tpu.memref_slice %arg10[%select_n3A_17, %dma_wait3A_186, %dma_wait3A_187] : memref<2x20x1024xf32, #tpu.memory_space<vmem>> -> memref<1x1x1024xf32, #tpu.memory_space<vmem>>
    %dma_wait3A_189 = tpu.memref_squeeze %dma_wait3A_188 : memref<1x1x1024xf32, #tpu.memory_space<vmem>> -> memref<1x1024xf32, #tpu.memory_space<vmem>>
    %dma_wait3A_190 = arith.constant 0 : i32
    %dma_wait3A_191 = tpu.memref_slice %arg3[%get3A_183, %dma_wait3A_190] : memref<2048x1024xf32, #tpu.memory_space<any>> -> memref<1x1024xf32, #tpu.memory_space<any>>
    tpu.wait_dma2 semaphore(%dma_wait3A_185 : memref<!tpu.dma_semaphore, #tpu.memory_space<semaphore_mem>>) src(%dma_wait3A_191 : memref<1x1024xf32, #tpu.memory_space<any>>) dst(%dma_wait3A_189 : memref<1x1024xf32, #tpu.memory_space<vmem>>)
    %get3A_192 = arith.index_cast %arg0 : i32 to index
    %get3A_193 = arith.constant 16 : index
    %get3A_194 = memref.load %arg1[%get3A_192, %get3A_193] : memref<100x20xi32, #tpu.memory_space<smem>>
    %dma_wait3A_195 = tpu.memref_slice %arg11[%select_n3A_17] : memref<2x!tpu.dma_semaphore, #tpu.memory_space<semaphore_mem>> -> memref<1x!tpu.dma_semaphore, #tpu.memory_space<semaphore_mem>>
    %dma_wait3A_196 = tpu.memref_squeeze %dma_wait3A_195 : memref<1x!tpu.dma_semaphore, #tpu.memory_space<semaphore_mem>> -> memref<!tpu.dma_semaphore, #tpu.memory_space<semaphore_mem>>
    %dma_wait3A_197 = arith.constant 16 : i32
    %dma_wait3A_198 = arith.constant 0 : i32
    %dma_wait3A_199 = tpu.memref_slice %arg10[%select_n3A_17, %dma_wait3A_197, %dma_wait3A_198] : memref<2x20x1024xf32, #tpu.memory_space<vmem>> -> memref<1x1x1024xf32, #tpu.memory_space<vmem>>
    %dma_wait3A_200 = tpu.memref_squeeze %dma_wait3A_199 : memref<1x1x1024xf32, #tpu.memory_space<vmem>> -> memref<1x1024xf32, #tpu.memory_space<vmem>>
    %dma_wait3A_201 = arith.constant 0 : i32
    %dma_wait3A_202 = tpu.memref_slice %arg3[%get3A_194, %dma_wait3A_201] : memref<2048x1024xf32, #tpu.memory_space<any>> -> memref<1x1024xf32, #tpu.memory_space<any>>
    tpu.wait_dma2 semaphore(%dma_wait3A_196 : memref<!tpu.dma_semaphore, #tpu.memory_space<semaphore_mem>>) src(%dma_wait3A_202 : memref<1x1024xf32, #tpu.memory_space<any>>) dst(%dma_wait3A_200 : memref<1x1024xf32, #tpu.memory_space<vmem>>)
    %get3A_203 = arith.index_cast %arg0 : i32 to index
    %get3A_204 = arith.constant 17 : index
    %get3A_205 = memref.load %arg1[%get3A_203, %get3A_204] : memref<100x20xi32, #tpu.memory_space<smem>>
    %dma_wait3A_206 = tpu.memref_slice %arg11[%select_n3A_17] : memref<2x!tpu.dma_semaphore, #tpu.memory_space<semaphore_mem>> -> memref<1x!tpu.dma_semaphore, #tpu.memory_space<semaphore_mem>>
    %dma_wait3A_207 = tpu.memref_squeeze %dma_wait3A_206 : memref<1x!tpu.dma_semaphore, #tpu.memory_space<semaphore_mem>> -> memref<!tpu.dma_semaphore, #tpu.memory_space<semaphore_mem>>
    %dma_wait3A_208 = arith.constant 17 : i32
    %dma_wait3A_209 = arith.constant 0 : i32
    %dma_wait3A_210 = tpu.memref_slice %arg10[%select_n3A_17, %dma_wait3A_208, %dma_wait3A_209] : memref<2x20x1024xf32, #tpu.memory_space<vmem>> -> memref<1x1x1024xf32, #tpu.memory_space<vmem>>
    %dma_wait3A_211 = tpu.memref_squeeze %dma_wait3A_210 : memref<1x1x1024xf32, #tpu.memory_space<vmem>> -> memref<1x1024xf32, #tpu.memory_space<vmem>>
    %dma_wait3A_212 = arith.constant 0 : i32
    %dma_wait3A_213 = tpu.memref_slice %arg3[%get3A_205, %dma_wait3A_212] : memref<2048x1024xf32, #tpu.memory_space<any>> -> memref<1x1024xf32, #tpu.memory_space<any>>
    tpu.wait_dma2 semaphore(%dma_wait3A_207 : memref<!tpu.dma_semaphore, #tpu.memory_space<semaphore_mem>>) src(%dma_wait3A_213 : memref<1x1024xf32, #tpu.memory_space<any>>) dst(%dma_wait3A_211 : memref<1x1024xf32, #tpu.memory_space<vmem>>)
    %get3A_214 = arith.index_cast %arg0 : i32 to index
    %get3A_215 = arith.constant 18 : index
    %get3A_216 = memref.load %arg1[%get3A_214, %get3A_215] : memref<100x20xi32, #tpu.memory_space<smem>>
    %dma_wait3A_217 = tpu.memref_slice %arg11[%select_n3A_17] : memref<2x!tpu.dma_semaphore, #tpu.memory_space<semaphore_mem>> -> memref<1x!tpu.dma_semaphore, #tpu.memory_space<semaphore_mem>>
    %dma_wait3A_218 = tpu.memref_squeeze %dma_wait3A_217 : memref<1x!tpu.dma_semaphore, #tpu.memory_space<semaphore_mem>> -> memref<!tpu.dma_semaphore, #tpu.memory_space<semaphore_mem>>
    %dma_wait3A_219 = arith.constant 18 : i32
    %dma_wait3A_220 = arith.constant 0 : i32
    %dma_wait3A_221 = tpu.memref_slice %arg10[%select_n3A_17, %dma_wait3A_219, %dma_wait3A_220] : memref<2x20x1024xf32, #tpu.memory_space<vmem>> -> memref<1x1x1024xf32, #tpu.memory_space<vmem>>
    %dma_wait3A_222 = tpu.memref_squeeze %dma_wait3A_221 : memref<1x1x1024xf32, #tpu.memory_space<vmem>> -> memref<1x1024xf32, #tpu.memory_space<vmem>>
    %dma_wait3A_223 = arith.constant 0 : i32
    %dma_wait3A_224 = tpu.memref_slice %arg3[%get3A_216, %dma_wait3A_223] : memref<2048x1024xf32, #tpu.memory_space<any>> -> memref<1x1024xf32, #tpu.memory_space<any>>
    tpu.wait_dma2 semaphore(%dma_wait3A_218 : memref<!tpu.dma_semaphore, #tpu.memory_space<semaphore_mem>>) src(%dma_wait3A_224 : memref<1x1024xf32, #tpu.memory_space<any>>) dst(%dma_wait3A_222 : memref<1x1024xf32, #tpu.memory_space<vmem>>)
    %get3A_225 = arith.index_cast %arg0 : i32 to index
    %get3A_226 = arith.constant 19 : index
    %get3A_227 = memref.load %arg1[%get3A_225, %get3A_226] : memref<100x20xi32, #tpu.memory_space<smem>>
    %dma_wait3A_228 = tpu.memref_slice %arg11[%select_n3A_17] : memref<2x!tpu.dma_semaphore, #tpu.memory_space<semaphore_mem>> -> memref<1x!tpu.dma_semaphore, #tpu.memory_space<semaphore_mem>>
    %dma_wait3A_229 = tpu.memref_squeeze %dma_wait3A_228 : memref<1x!tpu.dma_semaphore, #tpu.memory_space<semaphore_mem>> -> memref<!tpu.dma_semaphore, #tpu.memory_space<semaphore_mem>>
    %dma_wait3A_230 = arith.constant 19 : i32
    %dma_wait3A_231 = arith.constant 0 : i32
    %dma_wait3A_232 = tpu.memref_slice %arg10[%select_n3A_17, %dma_wait3A_230, %dma_wait3A_231] : memref<2x20x1024xf32, #tpu.memory_space<vmem>> -> memref<1x1x1024xf32, #tpu.memory_space<vmem>>
    %dma_wait3A_233 = tpu.memref_squeeze %dma_wait3A_232 : memref<1x1x1024xf32, #tpu.memory_space<vmem>> -> memref<1x1024xf32, #tpu.memory_space<vmem>>
    %dma_wait3A_234 = arith.constant 0 : i32
    %dma_wait3A_235 = tpu.memref_slice %arg3[%get3A_227, %dma_wait3A_234] : memref<2048x1024xf32, #tpu.memory_space<any>> -> memref<1x1024xf32, #tpu.memory_space<any>>
    tpu.wait_dma2 semaphore(%dma_wait3A_229 : memref<!tpu.dma_semaphore, #tpu.memory_space<semaphore_mem>>) src(%dma_wait3A_235 : memref<1x1024xf32, #tpu.memory_space<any>>) dst(%dma_wait3A_233 : memref<1x1024xf32, #tpu.memory_space<vmem>>)
    %jit3A_236 = arith.constant 2 : i32
    %eq3A_237 = arith.constant 0 : i32
    %eq3A_238 = arith.cmpi eq, %jit3A_236, %eq3A_237 : i32
    %jit3A_239 = arith.constant 1 : i32
    %select_n3A_240 = arith.select %eq3A_238, %jit3A_239, %jit3A_236 : i32
    %rem3A_241 = arith.remsi %arg0, %select_n3A_240 : i32
    %ne3A_242 = arith.constant 0 : i32
    %ne3A_243 = arith.cmpi ne, %rem3A_241, %ne3A_242 : i32
    %lt3A_244 = arith.constant 0 : i32
    %lt3A_245 = arith.cmpi slt, %rem3A_241, %lt3A_244 : i32
    %lt3A_246 = arith.constant 0 : i32
    %lt3A_247 = arith.cmpi slt, %select_n3A_240, %lt3A_246 : i32
    %ne3A_248 = arith.xori %lt3A_245, %lt3A_247 : i1
    %and3A_249 = arith.andi %ne3A_248, %ne3A_243 : i1
    %add3A_250 = arith.addi %rem3A_241, %select_n3A_240 : i32
    %select_n3A_251 = arith.select %and3A_249, %add3A_250, %rem3A_241 : i32
    %get3A_252 = arith.index_cast %select_n3A_251 : i32 to index
    %get3A_253 = arith.constant 0 : index
    %get3A_254 = arith.constant 0 : index
    %get3A_255 = vector.load %arg10[%get3A_252, %get3A_253, %get3A_254] : memref<2x20x1024xf32, #tpu.memory_space<vmem>>, vector<1x20x1024xf32>
    %get3A_256 = vector.shape_cast %get3A_255 : vector<1x20x1024xf32> to vector<20x1024xf32>
    %get3A_257 = arith.constant 0 : index
    %get3A_258 = arith.constant 0 : index
    %get3A_259 = arith.constant 0 : index
    %get3A_260 = vector.load %arg6[%get3A_257, %get3A_258, %get3A_259] : memref<1x1000x1024xf32, #tpu.memory_space<vmem>>, vector<1x1000x1024xf32>
    %get3A_261 = vector.shape_cast %get3A_260 : vector<1x1000x1024xf32> to vector<1000x1024xf32>
    %dot_general3A = arith.constant dense<0.000000e+00> : vector<20x1000xf32>
    %dot_general3A_262 = tpu.matmul %get3A_256, %get3A_261, %dot_general3A {dimension_numbers = #tpu.dot_dimension_numbers<[1], [1], [0], [0], [0, 0, 1, 0], [], []>, transpose_lhs_hint = false} : vector<20x1024xf32>, vector<1000x1024xf32>, vector<20x1000xf32> -> vector<20x1000xf32>
    %get3A_263 = arith.constant 0 : index
    %get3A_264 = arith.constant 0 : index
    %get3A_265 = arith.constant 0 : index
    %get3A_266 = vector.load %arg7[%get3A_263, %get3A_264, %get3A_265] : memref<1x1x1000xf32, #tpu.memory_space<vmem>>, vector<1x1x1000xf32>
    %get3A_267 = vector.shape_cast %get3A_266 : vector<1x1x1000xf32> to vector<1x1000xf32>
    %add3A_268 = vector.broadcast %get3A_267 : vector<1x1000xf32> to vector<20x1000xf32>
    %add3A_269 = arith.addf %dot_general3A_262, %add3A_268 : vector<20x1000xf32>
    %swap3A = arith.constant 0 : index
    %swap3A_270 = arith.constant 0 : index
    %swap3A_271 = arith.constant 0 : index
    %swap3A_272 = vector.load %arg9[%swap3A, %swap3A_270, %swap3A_271] : memref<1x20x1000xf32, #tpu.memory_space<vmem>>, vector<1x20x1000xf32>
    %swap3A_273 = vector.shape_cast %swap3A_272 : vector<1x20x1000xf32> to vector<20x1000xf32>
    %swap3A_274 = vector.shape_cast %add3A_269 : vector<20x1000xf32> to vector<1x20x1000xf32>
    tpu.vector_store %arg9[%swap3A, %swap3A_270, %swap3A_271], %swap3A_274 {strides = array<i32>} : memref<1x20x1000xf32, #tpu.memory_space<vmem>>, vector<1x20x1000xf32>,
    return
  }
  func.func @transform_0(%arg0: i32, %arg1: memref<100x20xi32, #tpu.memory_space<smem>>) -> (i32, i32) {
    %c0_i32 = arith.constant 0 : i32
    %c0_i32_0 = arith.constant 0 : i32
    %c0_i32_1 = arith.constant 0 : i32
    return %c0_i32, %c0_i32_0 : i32, i32
  }
  func.func @transform_2(%arg0: i32, %arg1: memref<100x20xi32, #tpu.memory_space<smem>>) -> (i32, i32) {
    %c0_i32 = arith.constant 0 : i32
    %c0_i32_0 = arith.constant 0 : i32
    %c0_i32_1 = arith.constant 0 : i32
    return %c0_i32, %c0_i32_0 : i32, i32
  }
  func.func @transform_3(%arg0: i32, %arg1: memref<100x20xi32, #tpu.memory_space<smem>>) -> (i32, i32) {
    %c0_i32 = arith.constant 0 : i32
    %c0_i32_0 = arith.constant 0 : i32
    %c0_i32_1 = arith.constant 0 : i32
    return %c0_i32, %c0_i32_0 : i32, i32
  }
  func.func @transform_4(%arg0: i32, %arg1: memref<100x20xi32, #tpu.memory_space<smem>>) -> (i32, i32, i32) {
    %c0_i32 = arith.constant 0 : i32
    %c0_i32_0 = arith.constant 0 : i32
    %c0_i32_1 = arith.constant 0 : i32
    return %arg0, %c0_i32, %c0_i32_0 : i32, i32, i32
  }
  func.func @transform_5(%arg0: i32, %arg1: memref<100x20xi32, #tpu.memory_space<smem>>) -> (i32, i32, i32) {
    %c0_i32 = arith.constant 0 : i32
    %c0_i32_0 = arith.constant 0 : i32
    %c0_i32_1 = arith.constant 0 : i32
    return %arg0, %c0_i32, %c0_i32_0 : i32, i32, i32
  }
  func.func @transform_6(%arg0: i32, %arg1: memref<100x20xi32, #tpu.memory_space<smem>>) -> (i32, i32) {
    %c0_i32 = arith.constant 0 : i32
    %c0_i32_0 = arith.constant 0 : i32
    %c0_i32_1 = arith.constant 0 : i32
    return %c0_i32, %c0_i32_0 : i32, i32
  }
  func.func @transform_7(%arg0: i32, %arg1: memref<100x20xi32, #tpu.memory_space<smem>>) -> (i32, i32, i32) {
    %c0_i32 = arith.constant 0 : i32
    %c0_i32_0 = arith.constant 0 : i32
    %c0_i32_1 = arith.constant 0 : i32
    return %arg0, %c0_i32, %c0_i32_0 : i32, i32, i32
  }
}

</mosaic_0001>

<sc_bundles>
// kernel: kernel.5.cloned.1.call-start
scs
__scs_entry_jumppad:
0x0: {  	(pc) =	sbr.rel $0x88, $3  }
0x1: {  	(tag) =	ssettag $0x0;
	lr =	simm.s32 $0x1  }
0x2: {  	[smem:$0x3F9B] =	sst lr;
	_ =	strace $0xD0000000  }
0x3: {  	_ = 	snop  }
0x4: {  	_ = 	snop  }
0x5: {  	_ = 	snop  }
0x6: {  	_ = 	snop  }
0x7: {  	_ = 	snop  }
__scs_overlays_trampoline_lowered:
0x8: {  	[smem:$0x3FAA] =	sst s0  }
0x9: {  	[smem:$0x3FAB] =	sst s1  }
0xa: {  	[smem:$0x3FAC] =	sst s2  }
0xb: {  	[smem:$0x3FAD] =	sst s3  }
0xc: {  	[smem:$0x3FAE] =	sst s4  }
0xd: {  	[smem:$0x3FAF] =	sst s5  }
0xe: {  	[smem:$0x3FB0] =	sst s6  }
0xf: {  	[smem:$0x3FB1] =	sst s7  }
0x10: {  	[smem:$0x3FB2] =	sst s8  }
0x11: {  	[smem:$0x3FB3] =	sst s9;
	s0 =	simm.s32 @!p0 $0x0  }
0x12: {  	s1 =	sld [smem:$0x3F99];
	s0 =	simm.s32 @p0 $0x1  }
0x13: {  	[smem:$0x3FB4] =	sst s0;
	s0 =	simm.s32 @!p1 $0x0  }
0x14: {  	s2 =	sld [smem:$0x3F98];
	s0 =	simm.s32 @p1 $0x1  }
0x15: {  	[smem:$0x3FB5] =	sst s0;
	s0 =	simm.s32 @!p2 $0x0  }
0x16: {  	s3 =	sld [smem:$0x3FDB];
	s0 =	simm.s32 @p2 $0x1  }
0x17: {  	s4 =	simm.s32 $0x1BF5;
	[smem:$0x3FB7] =	sst s0  }
0x18: {  	s0 =	sld [smem:$0x3F9A];
	_ =	swait.ge [sflag:s4], $0x0  }
0x19: {  	s7 =	sld [smem:$0x3F9B]  }
0x1a: {  	s8 =	sadd.s32 $0xFFFFE003, lr  }
0x1b: {  	s9 =	sadd.s32 $0xFFFFFEF7, lr;
	s5 =	simm.s32 $0xFFFFFFFF;
	p2 =	slt.u32 s8, $0xFFFFF086  }
0x1c: {  	p1 =	slt.u32 s9, $0xF7A;
	s5 =	simm.s32 @!p2 $0x0  }
0x1d: {  	s5 =	simm.s32 @p1 $0x1;
	p0 =	seq.s32 s7, s2  }
0x1e: {  	s7 =	smul.u32 @!p0 $0xF7A, s2;
	p2 =	seq.s32 @!p0 s5, $0x0  }
0x1f: {  	s9 =	smul.u32 $0xF7A, s1;
	s8 =	simm.s32 @!p0 $0x1BF5;
	p2 =	por !p2, p0  }
0x20: {  	[sflag:s8] =	ssyncset.s32 @!p0 $0xFFFFF086;
	s6 =	sadd.s32 @!p0 s3, s7;
	s7 =	simm.s32 @!p0 $0x108  }
0x21: {  	s3 =	sadd.s32 s3, s9;
	s6 =	sadd.s32 @!p0 $0x88, s6;
	s7 =	simm.s32 @p2 $0x1082  }
0x22: {  	[simem:s7], [sflag:s8] =	dma.local @!p0 [hbm:s6], $0xF7A  }
0x23: {  	s9 =	sor.u32 $0xD0000000, s2;
	s6 =	simm.s32 $0x108;
	_ =	swait.ge @!p0 [sflag:s8], $0x0  }
0x24: {  	s3 =	sadd.s32 $0x88, s3;
	s6 =	simm.s32 @!p1 $0x1082;
	[sflag:s4] =	ssyncset.s32 $0xFFFFF086  }
0x25: {  	[simem:s6], [sflag:s4] =	dma.local [hbm:s3], $0xF7A  }
0x26: {  	[smem:$0x3F9B] =	sst s1;
	(tag) =	ssettag s2;
	_ =	strace s9  }
0x27: {  	s1 =	sld [smem:$0x3FAB]  }
0x28: {  	s2 =	sld [smem:$0x3FAC]  }
0x29: {  	s4 =	sld [smem:$0x3FAE]  }
0x2a: {  	p0 =	seq.s32 s5, $0x0;
	s5 =	sld [smem:$0x3FAF]  }
0x2b: {  	s6 =	sld [smem:$0x3FB0]  }
0x2c: {  	s7 =	sld [smem:$0x3FB1]  }
0x2d: {  	s3 =	simm.s32 $0x108;
	s8 =	sld [smem:$0x3FB2]  }
0x2e: {  	s3 =	simm.s32 @!p0 $0x1082;
	s9 =	sld [smem:$0x3FB3]  }
0x2f: {  	lr =	sadd.s32 s0, s3;
	s0 =	sld [smem:$0x3FAA]  }
0x30: {  	s3 =	sld [smem:$0x3FAD]  }
0x31: {  	[smem:$0x3FB6] =	sst s10  }
0x32: {  	s10 =	sld [smem:$0x3FB4];
	_ =	sdelay $0x3  }
0x33: {  	p0 =	seq.s32 s10, $0x1;
	s10 =	sld [smem:$0x3FB6];
	_ =	sdelay $0x3  }
0x34: {  	[smem:$0x3FB6] =	sst s10  }
0x35: {  	s10 =	sld [smem:$0x3FB5];
	_ =	sdelay $0x3  }
0x36: {  	p1 =	seq.s32 s10, $0x1;
	s10 =	sld [smem:$0x3FB6];
	_ =	sdelay $0x3  }
0x37: {  	[smem:$0x3FB6] =	sst s10  }
0x38: {  	s10 =	sld [smem:$0x3FB7]  }
0x39: {  	_ = 	snop;
	(pc) =	sbr.ind lr, $3  }
0x3a: {  	_ = 	snop  }
0x3b: {  	_ = 	snop  }
0x3c: {  	p2 =	seq.s32 s10, $0x1;
	s10 =	sld [smem:$0x3FB6]  }
0x3d: {  	_ =	shalt  }
0x3e: {  	_ =	shalt  }
0x3f: {  	_ =	shalt  }
0x40: {  	_ =	shalt  }
0x41: {  	_ =	shalt  }
0x42: {  	_ =	shalt  }
0x43: {  	_ =	shalt  }
0x44: {  	_ =	shalt  }
0x45: {  	_ =	shalt  }
0x46: {  	_ =	shalt  }
0x47: {  	_ =	shalt  }
0x48: {  	_ =	shalt  }
0x49: {  	_ =	shalt  }
0x4a: {  	_ =	shalt  }
0x4b: {  	_ =	shalt  }
0x4c: {  	_ =	shalt  }
0x4d: {  	_ =	shalt  }
0x4e: {  	_ =	shalt  }
0x4f: {  	_ =	shalt  }
0x50: {  	_ =	shalt  }
0x51: {  	_ =	shalt  }
0x52: {  	_ =	shalt  }
0x53: {  	_ =	shalt  }
0x54: {  	_ =	shalt  }
0x55: {  	_ =	shalt  }
0x56: {  	_ =	shalt  }
0x57: {  	_ =	shalt  }
0x58: {  	_ =	shalt  }
0x59: {  	_ =	shalt  }
0x5a: {  	_ =	shalt  }
0x5b: {  	_ =	shalt  }
0x5c: {  	_ =	shalt  }
0x5d: {  	_ =	shalt  }
0x5e: {  	_ =	shalt  }
0x5f: {  	_ =	shalt  }
0x60: {  	_ =	shalt  }
0x61: {  	_ =	shalt  }
0x62: {  	_ =	shalt  }
0x63: {  	_ =	shalt  }
0x64: {  	_ =	shalt  }
0x65: {  	_ =	shalt  }
0x66: {  	_ =	shalt  }
0x67: {  	_ =	shalt  }
0x68: {  	_ =	shalt  }
0x69: {  	_ =	shalt  }
0x6a: {  	_ =	shalt  }
0x6b: {  	_ =	shalt  }
0x6c: {  	_ =	shalt  }
0x6d: {  	_ =	shalt  }
0x6e: {  	_ =	shalt  }
0x6f: {  	_ =	shalt  }
0x70: {  	_ =	shalt  }
0x71: {  	_ =	shalt  }
0x72: {  	_ =	shalt  }
0x73: {  	_ =	shalt  }
0x74: {  	_ =	shalt  }
0x75: {  	_ =	shalt  }
0x76: {  	_ =	shalt  }
0x77: {  	_ =	shalt  }
0x78: {  	_ =	shalt  }
0x79: {  	_ =	shalt  }
0x7a: {  	_ =	shalt  }
0x7b: {  	_ =	shalt  }
0x7c: {  	_ =	shalt  }
0x7d: {  	_ =	shalt  }
0x7e: {  	_ =	shalt  }
0x7f: {  	_ =	shalt  }
0x80: {  	_ =	shalt  }
0x81: {  	_ =	shalt  }
0x82: {  	_ =	shalt  }
0x83: {  	_ =	shalt  }
0x84: {  	_ =	shalt  }
0x85: {  	_ =	shalt  }
0x86: {  	_ =	shalt  }
0x87: {  	_ =	shalt  }
.Lfunc_end0:
.L_simem_size_0:
called_computation_lowered:
.L_overlay_start_0:
0x88: {  	s2 =	sld [smem:$0x3FD9]  }
0x89: {  	s3 =	sld [smem:$0x3FFE];
	_ =	sdelay $0x1  }
0x8a: {  	s1 =	srdreg.scid  }
0x8b: {  	s0 =	sand.u32 $0x1, s1  }
0x8c: {  	s14 =	sshll.u32 s0, $0xA;
	s2 =	sadd.s32 s3, s2  }
0x8d: {  	s2 =	sadd.s32 s2, s14  }
0x8e: {  	[smem:$0x3FC2] =	sst s2  }
0x8f: {  	_ = 	snop  }
0x90: {  	s2 =	sld [smem:$0x3FD0];
	_ =	sdelay $0x2  }
0x91: {  	s4 =	simm.s32 $0xA;
	s5 =	simm.s32 $0x10;
	s15 =	sld [smem:$0x3FC9]  }
0x92: {  	[smem:s5], [sflag:s4] =	dma.local [hbm:s2], $0x1  }
0x93: {  	_ =	swait.eq [sflag:s4], $0x1  }
0x94: {  	[sflag:s4] =	ssyncset.done $0x0  }
0x95: {  	[sflag:s4] =	ssyncadd.s32 $0xFFFFFFFF  }
0x96: {  	s16 =	sld [smem:$0x11];
	(tm) =	ssettm $0x1  }
0x97: {  	s17 =	sld [smem:$0x3FFB];
	_ =	sdelay $0x3  }
0x98: {  	_ =	strace s17  }
0x99: {  	s4 =	sld [smem:$0x3FFC];
	_ =	sdelay $0x3  }
0x9a: {  	_ =	strace s4  }
0x9b: {  	s4 =	sld [smem:$0x3FFD];
	_ =	sdelay $0x3  }
0x9c: {  	_ =	strace s4  }
0x9d: {  	_ =	strace $0x8FFFFFFF  }
0x9e: {  	s18 =	sld [smem:$0x3FDB];
	_ =	sdelay $0x1  }
0x9f: {  	s19 =	simm.s32 $_scs_section_size  }
0xa0: {  	s6 =	simm.s32 $_size__tile_overlayer_lowered;
	s7 =	simm.s32 $_tile_overlayer_lowered  }
0xa1: {  	s22 =	simm.s32 $0x1BFF;
	s21 =	sshll.u32 s7, $0x1;
	s4 =	sadd.s32 s19, s18  }
0xa2: {  	s8 =	simm.s32 $0x0;
	s20 =	sshll.u32 s6, $0x1;
	s6 =	sadd.s32 s21, s4  }
0xa3: {  	[timem:s8], [sflag:s22] =	dma.local [hbm:s6], s20  }
0xa4: {  	_ =	swait.ge [sflag:s22], s20  }
0xa5: {  	s5 =	ssub.s32 $0x0, s20;
	[sflag:s22] =	ssyncset.done $0x0  }
0xa6: {  	[sflag:s22] =	ssyncadd.s32 s5;
	_ =	sdelay $0x1  }
0xa7: {  	s23 =	simm.s32 $0x1B8B  }
0xa8: {  	_ =	swait.ge [sflag:s23], $0x1  }
0xa9: {  	[sflag:s23] =	ssyncset.done $0x0  }
0xaa: {  	s25 =	simm.s32 $0x1B8E;
	s24 =	sld [smem:$0x3FFE];
	[sflag:s23] =	ssyncadd.s32 $0xFFFFFFFF  }
0xab: {  	s26 =	simm.s32 $execute0_lowered;
	[smem:$0x3FD2] =	sst s25  }
0xac: {  	s6 =	sshll.u32 s26, $0x1;
	_ =	strace $0x80000046;
	[dreg:$0x1] =	wrdreg $0xFFFFFFFF  }
0xad: {  	s28 =	simm.s32 $_size_execute0_lowered;
	s4 =	sadd.s32 s4, s6;
	[dreg:$0x0] =	wrdreg $0x0  }
0xae: {  	s6 =	sshll.u32 s28, $0x1;
	[dreg:$0x2] =	wrdreg s4  }
0xaf: {  	[dreg:$0x3] =	wrdreg s6  }
0xb0: {  	[dreg:$0x4] =	wrdreg $0xC0  }
0xb1: {  	_ =	task [dreg:s8], $0x5FFFF  }
0xb2: {  	[dreg:$0x1] =	wrdreg $0xFFFFFFFF  }
0xb3: {  	[dreg:$0x0] =	wrdreg $0x60  }
0xb4: {  	[dreg:$0x2] =	wrdreg s15  }
0xb5: {  	[dreg:$0x3] =	wrdreg s24  }
0xb6: {  	[dreg:$0x4] =	wrdreg s16  }
0xb7: {  	[dreg:$0x5] =	wrdreg $0x9  }
0xb8: {  	_ =	task.clear_ibuf [dreg:s8], $0x6FFFF;
	_ =	strace $0x90000046  }
0xb9: {  	s29 =	simm.s32 $0x9;
	_ =	strace $0x80000048  }
0xba: {  	_ =	swait.ge [sflag:s29], $0x1  }
0xbb: {  	[sflag:s29] =	ssyncadd.s32 $0xFFFFFFFF  }
0xbc: {  	_ =	strace $0x90000048  }
0xbd: {  	_ =	sfence  }
0xbe: {  	s30 =	sld [smem:$0x0];
	_ =	sdelay $0x2  }
0xbf: {  	s31 =	sshll.u32 s1, $0xD;
	s1 =	sshrl.u32 s1, $0x2  }
0xc0: {  	s3 =	sand.u32 $0x4000, s31;
	s1 =	sadd.s32 s1, s30  }
0xc1: {  	s0 =	sor.u32 s3, s0;
	s1 =	sshll.u32 s1, $0x11  }
0xc2: {  	s0 =	sor.u32 s1, s0  }
0xc3: {  	s0 =	sadd.s32 $0x8F2B, s0  }
0xc4: {  	[sflag:s0] =	ssyncadd.remote.s32 $0x1  }
0xc5: {  	_ =	sfence.sel $0xFFFF  }
0xc6: {  	[dreg:$0x0] =	wrdreg $0xFFFFFFFF;
	(pc) =	sbr.abs _section_cstart, $3  }
0xc7: {  	[dreg:$0x1] =	wrdreg $0xFFFFFFFF  }
0xc8: {  	_ =	task.clear_ibuf [dreg:s8], $0x2FFFF;
	_ =	strace $0x9FFFFFFF  }
0xc9: {  	(tm) =	ssettm $0x7FFFFFFF  }
tec
execute0_lowered:
.L_overlay_start_1:
0x0: {  	(tag) =	ssettag $0x1  }
0x1: {  	s1 =	rddreg [dreg:$0x0]  }
0x2: {  	s0 =	rddreg [dreg:$0x1];
	s2 =	srdreg.scid  }
0x3: {  	s11 =	stileid.u32;
	s8 =	rddreg [dreg:$0x2];
	s3 =	simm.s32 $0x0  }
0x4: {  	s13 =	simm.s32 $0x5;
	s14 =	simm.s32 $0x100;
	s15 =	simm.s32 $0x900  }
0x5: {  	s16 =	simm.s32 $0x1100;
	s17 =	simm.s32 $0x1900;
	s18 =	simm.s32 $0x2100  }
0x6: {  	s19 =	simm.s32 $0x2900;
	s20 =	simm.s32 $0x3100;
	s21 =	simm.s32 $0x3900  }
0x7: {  	s22 =	simm.s32 $0x4100;
	s23 =	simm.s32 $0x4900;
	s28 =	simm.s32 $0x6900  }
0x8: {  	s29 =	simm.s32 $0x7100;
	s30 =	simm.s32 $0x7900;
	s31 =	simm.s32 $0x8100  }
0x9: {  	s2 =	sand.u32 $0x1, s2;
	s4 =	sshll.u32 s11, $0x1;
	[smem:$0x7FF] =	sst s3  }
0xa: {  	s5 =	sadd.s32 $0x100, s1;
	p0 =	slt.u32 s11, $0x9;
	s11 =	simm.s32 $0x3  }
0xb: {  	s6 =	sor.u32 s2, s4;
	s2 =	ssub.s32 $0x2, s2;
	_ =	strace $0x80000047  }
0xc: {  	s4 =	sshll.u32 s6, $0x4;
	s24 =	sshrl.u32 s2, $0x1;
	s7 =	smul.u32 $0x6000, s6  }
0xd: {  	s25 =	smul.u32 $0xC00, s6;
	s6 =	sadd.s32 $0x200, s1;
	s0 =	sadd.s32 s4, s0  }
.Ltmp0:
0xe: {  	s2 =	ssub.s32 s2, s24;
	s24 =	simm.s32 $0x5100;
	(pc) =	sbr.rel .LBB2_1-.Ltmp0, $4  }
0xf: {  	s4 =	sadd.s32 $0x1200, s0;
	s9 =	sshrl.u32 s7, $0x3;
	s7 =	sadd.s32 $0x300, s1  }
0x10: {  	v2 =	vlaneseq.u32;
	s10 =	smax.u32 s2, $0x1;
	s0 =	simm.s32 $0x1;
	s9 =	sadd.s32 s8, s9  }
0x11: {  	vm0 =	vmmov $0xffff;
	v1 =	vshrl.u32 v2, $0x3;
	s2 =	simm.s32 $0x2;
	s8 =	sadd.s32 s8, s25;
	s26 =	sadd.s32 $0x18000, s9  }
0x12: {  	v0 =	vand.u32 $0x7, v2;
	v2 =	vor.u32 $0x8, v2;
	v1 =	vmul.u32 $0x8, v1;
	s25 =	simm.s32 $0x5900;
	[dreg:$0x4] =	wrdreg s26;
	s26 =	simm.s32 $0x6100  }
.LBB2_3:
0x13: {  	v3 =	vld [tilespmem:$0x80];
	_ =	sdelay $0x4  }
0x14: {  	v4 =	vshll.u32 v3, $0x3  }
0x15: {  	v3 =	vand.u32 $0x7, v3;
	v4 =	vand.u32 $0xFFFFFFC0, v4  }
0x16: {  	v3 =	vor.u32 v3, v4  }
0x17: {  	v4 =	vperm.xlane v3, v0;
	_ =	sdelay $0x1  }
0x18: {  	v4 =	vadd.s32 v1, v4;
	_ =	sdelay $0x4  }
0x19: {  	[tilespmem:s31], [sflag:$0x2] =	stream.indirect_vreg.gather [hbm4b:s1+s3], $0x80, v4, vm0, $0xb8;
	[tilespmem:$0x10100] =	vst v63  }
0x1a: {  	s9 =	simm.s32 $0x8900;
	v3 =	vperm.xlane v3, v2  }
0x1b: {  	[tilespmem:s9], [sflag:$0x2] =	stream.indirect_vreg.gather [hbm4b:s5+s3], $0x80, v4, vm0, $0xb8;
	[tilespmem:$0x10100] =	vst v63  }
0x1c: {  	s12 =	simm.s32 $0x9100;
	v3 =	vadd.s32 v1, v3  }
0x1d: {  	[tilespmem:s12], [sflag:$0x2] =	stream.indirect_vreg.gather [hbm4b:s6+s3], $0x80, v4, vm0, $0xb8;
	[tilespmem:$0x10100] =	vst v63  }
0x1e: {  	s12 =	simm.s32 $0x9900  }
0x1f: {  	[tilespmem:s12], [sflag:$0x2] =	stream.indirect_vreg.gather [hbm4b:s7+s3], $0x80, v4, vm0, $0xb8;
	[tilespmem:$0x10100] =	vst v63  }
0x20: {  	s12 =	simm.s32 $0xA100  }
0x21: {  	[tilespmem:s12], [sflag:$0x2] =	stream.indirect_vreg.gather [hbm4b:s1+s3], $0x80, v3, vm0, $0xb8;
	[tilespmem:$0x10100] =	vst v63  }
0x22: {  	s12 =	simm.s32 $0xA900  }
0x23: {  	[tilespmem:s12], [sflag:$0x2] =	stream.indirect_vreg.gather [hbm4b:s5+s3], $0x80, v3, vm0, $0xb8;
	[tilespmem:$0x10100] =	vst v63  }
0x24: {  	s12 =	simm.s32 $0xB100  }
0x25: {  	[tilespmem:s12], [sflag:$0x2] =	stream.indirect_vreg.gather [hbm4b:s6+s3], $0x80, v3, vm0, $0xb8;
	[tilespmem:$0x10100] =	vst v63  }
0x26: {  	s12 =	simm.s32 $0xB900  }
0x27: {  	[tilespmem:s12], [sflag:$0x2] =	stream.indirect_vreg.gather [hbm4b:s7+s3], $0x80, v3, vm0, $0xb8;
	[tilespmem:$0x10100] =	vst v63  }
0x28: {  	v3 =	vld [tilespmem:$0x90];
	_ =	sdelay $0x4  }
0x29: {  	v63 =	vshll.u32 v3, $0x3  }
0x2a: {  	v3 =	vand.u32 $0x7, v3;
	v4 =	vand.u32 $0xFFFFFFC0, v63  }
0x2b: {  	v3 =	vor.u32 v3, v4  }
0x2c: {  	v4 =	vperm.xlane v3, v0;
	_ =	sdelay $0x1  }
0x2d: {  	v4 =	vadd.s32 v1, v4;
	_ =	sdelay $0x3  }
0x2e: {  	s12 =	simm.s32 $0xC100  }
0x2f: {  	[tilespmem:s12], [sflag:$0x2] =	stream.indirect_vreg.gather [hbm4b:s1+s3], $0x80, v4, vm0, $0xb8;
	[tilespmem:$0x10100] =	vst v63  }
0x30: {  	v3 =	vperm.xlane v3, v2;
	s12 =	simm.s32 $0xC900  }
0x31: {  	[tilespmem:s12], [sflag:$0x2] =	stream.indirect_vreg.gather [hbm4b:s5+s3], $0x80, v4, vm0, $0xb8;
	[tilespmem:$0x10100] =	vst v63  }
0x32: {  	v3 =	vadd.s32 v1, v3;
	s12 =	simm.s32 $0xD100  }
0x33: {  	[tilespmem:s12], [sflag:$0x2] =	stream.indirect_vreg.gather [hbm4b:s6+s3], $0x80, v4, vm0, $0xb8;
	[tilespmem:$0x10100] =	vst v63  }
0x34: {  	s12 =	simm.s32 $0xD900  }
0x35: {  	[tilespmem:s12], [sflag:$0x2] =	stream.indirect_vreg.gather [hbm4b:s7+s3], $0x80, v4, vm0, $0xb8;
	[tilespmem:$0x10100] =	vst v63  }
0x36: {  	s12 =	simm.s32 $0xE100  }
0x37: {  	[tilespmem:s12], [sflag:$0x2] =	stream.indirect_vreg.gather [hbm4b:s1+s3], $0x80, v3, vm0, $0xb8;
	[tilespmem:$0x10100] =	vst v63  }
0x38: {  	s12 =	simm.s32 $0xE900  }
0x39: {  	[tilespmem:s12], [sflag:$0x2] =	stream.indirect_vreg.gather [hbm4b:s5+s3], $0x80, v3, vm0, $0xb8;
	[tilespmem:$0x10100] =	vst v63  }
0x3a: {  	s12 =	simm.s32 $0xF100  }
0x3b: {  	[tilespmem:s12], [sflag:$0x2] =	stream.indirect_vreg.gather [hbm4b:s6+s3], $0x80, v3, vm0, $0xb8;
	[tilespmem:$0x10100] =	vst v63  }
0x3c: {  	s12 =	simm.s32 $0xF900  }
0x3d: {  	[tilespmem:s12], [sflag:$0x2] =	stream.indirect_vreg.gather [hbm4b:s7+s3], $0x80, v3, vm0, $0xb8;
	[tilespmem:$0x10100] =	vst v63  }
0x3e: {  	_ =	swait.ge [sflag:s0], $0x8000  }
0x3f: {  	[sflag:s0] =	ssyncset.done $0x0  }
0x40: {  	[sflag:s0] =	ssyncadd.s32 $0xFFFF8000  }
0x41: {  	[hbm4b:s8+s3] =	stream.linear.scatter [tilespmem:s14], [sflag:$0x3], $0x6000, $0x38;
	[tilespmem:$0x10100] =	vst v63  }
0x42: {  	_ =	swait.ge [sflag:s2], $0x8000  }
0x43: {  	[sflag:s2] =	ssyncset.done $0x0  }
0x44: {  	s12 =	rddreg [dreg:$0x4];
	[sflag:s2] =	ssyncadd.s32 $0xFFFF8000  }
0x45: {  	[hbm4b:s12+s3] =	stream.linear.scatter [tilespmem:s31], [sflag:$0x4], $0x6000, $0x38;
	[tilespmem:$0x10100] =	vst v63  }
0x46: {  	_ =	swait.ge [sflag:s11], $0x6000  }
0x47: {  	[sflag:s11] =	ssyncset.done $0x0  }
0x48: {  	s12 =	simm.s32 $0x4;
	[sflag:s11] =	ssyncadd.s32 $0xFFFFA000  }
.LBB2_4:
0x49: {  	s10 =	sadd.s32 $0xFFFFFFFF, s10  }
0x4a: {  	p1 =	sne.s32 s10, $0x0  }
.Ltmp1:
0x4b: {  	_ = 	snop;
	(pc) =	sbr.rel @!p1 .LBB2_5-.Ltmp1, $4  }
0x4c: {  	_ = 	snop  }
0x4d: {  	_ =	swait.ge [sflag:s12], $0x6000  }
0x4e: {  	[sflag:s12] =	ssyncset.done $0x0  }
0x4f: {  	[sflag:s12] =	ssyncadd.s32 $0xFFFFA000  }
.LBB2_1:
0x50: {  	s12 =	simm.s32 $0x80;
	s9 =	simm.s32 $0x1000  }
0x51: {  	[tilespmem:s3], [sflag:$0x5] =	stream.strided.gather [hbm4b:s4+s12], $0x100, s9, s12, $0x38;
	[tilespmem:$0x10100] =	vst v63  }
0x52: {  	_ =	swait.ge [sflag:s13], $0x100  }
0x53: {  	[sflag:s13] =	ssyncset.done $0x0  }
0x54: {  	[sflag:s13] =	ssyncadd.s32 $0xFFFFFF00  }
0x55: {  	v3 =	vld [tilespmem:$0x0];
	_ =	sdelay $0x4  }
0x56: {  	v4 =	vshll.u32 v3, $0x3  }
0x57: {  	v3 =	vand.u32 $0x7, v3;
	v4 =	vand.u32 $0xFFFFFFC0, v4  }
0x58: {  	v3 =	vor.u32 v3, v4  }
0x59: {  	v4 =	vperm.xlane v3, v0;
	_ =	sdelay $0x1  }
0x5a: {  	v4 =	vadd.s32 v1, v4;
	_ =	sdelay $0x4  }
0x5b: {  	[tilespmem:s14], [sflag:$0x1] =	stream.indirect_vreg.gather [hbm4b:s1+s3], $0x80, v4, vm0, $0xb8;
	[tilespmem:$0x10100] =	vst v63  }
0x5c: {  	v3 =	vperm.xlane v3, v2  }
0x5d: {  	[tilespmem:s15], [sflag:$0x1] =	stream.indirect_vreg.gather [hbm4b:s5+s3], $0x80, v4, vm0, $0xb8;
	[tilespmem:$0x10100] =	vst v63  }
0x5e: {  	v3 =	vadd.s32 v1, v3  }
0x5f: {  	[tilespmem:s16], [sflag:$0x1] =	stream.indirect_vreg.gather [hbm4b:s6+s3], $0x80, v4, vm0, $0xb8;
	[tilespmem:$0x10100] =	vst v63  }
0x60: {  	_ = 	snop  }
0x61: {  	[tilespmem:s17], [sflag:$0x1] =	stream.indirect_vreg.gather [hbm4b:s7+s3], $0x80, v4, vm0, $0xb8;
	[tilespmem:$0x10100] =	vst v63  }
0x62: {  	_ = 	snop  }
0x63: {  	[tilespmem:s18], [sflag:$0x1] =	stream.indirect_vreg.gather [hbm4b:s1+s3], $0x80, v3, vm0, $0xb8;
	[tilespmem:$0x10100] =	vst v63  }
0x64: {  	_ = 	snop  }
0x65: {  	[tilespmem:s19], [sflag:$0x1] =	stream.indirect_vreg.gather [hbm4b:s5+s3], $0x80, v3, vm0, $0xb8;
	[tilespmem:$0x10100] =	vst v63  }
0x66: {  	_ = 	snop  }
0x67: {  	[tilespmem:s20], [sflag:$0x1] =	stream.indirect_vreg.gather [hbm4b:s6+s3], $0x80, v3, vm0, $0xb8;
	[tilespmem:$0x10100] =	vst v63  }
0x68: {  	_ = 	snop  }
0x69: {  	[tilespmem:s21], [sflag:$0x1] =	stream.indirect_vreg.gather [hbm4b:s7+s3], $0x80, v3, vm0, $0xb8;
	[tilespmem:$0x10100] =	vst v63  }
0x6a: {  	v3 =	vld [tilespmem:$0x10];
	_ =	sdelay $0x4  }
0x6b: {  	v63 =	vshll.u32 v3, $0x3  }
0x6c: {  	v3 =	vand.u32 $0x7, v3;
	v4 =	vand.u32 $0xFFFFFFC0, v63  }
0x6d: {  	v3 =	vor.u32 v3, v4  }
0x6e: {  	v4 =	vperm.xlane v3, v0;
	_ =	sdelay $0x1  }
0x6f: {  	v4 =	vadd.s32 v1, v4;
	_ =	sdelay $0x4  }
0x70: {  	[tilespmem:s22], [sflag:$0x1] =	stream.indirect_vreg.gather [hbm4b:s1+s3], $0x80, v4, vm0, $0xb8;
	[tilespmem:$0x10100] =	vst v63  }
0x71: {  	v3 =	vperm.xlane v3, v2  }
0x72: {  	[tilespmem:s23], [sflag:$0x1] =	stream.indirect_vreg.gather [hbm4b:s5+s3], $0x80, v4, vm0, $0xb8;
	[tilespmem:$0x10100] =	vst v63  }
0x73: {  	v3 =	vadd.s32 v1, v3  }
0x74: {  	[tilespmem:s24], [sflag:$0x1] =	stream.indirect_vreg.gather [hbm4b:s6+s3], $0x80, v4, vm0, $0xb8;
	[tilespmem:$0x10100] =	vst v63  }
0x75: {  	_ = 	snop  }
0x76: {  	[tilespmem:s25], [sflag:$0x1] =	stream.indirect_vreg.gather [hbm4b:s7+s3], $0x80, v4, vm0, $0xb8;
	[tilespmem:$0x10100] =	vst v63  }
0x77: {  	_ = 	snop  }
0x78: {  	[tilespmem:s26], [sflag:$0x1] =	stream.indirect_vreg.gather [hbm4b:s1+s3], $0x80, v3, vm0, $0xb8;
	[tilespmem:$0x10100] =	vst v63  }
0x79: {  	_ = 	snop  }
0x7a: {  	[tilespmem:s28], [sflag:$0x1] =	stream.indirect_vreg.gather [hbm4b:s5+s3], $0x80, v3, vm0, $0xb8;
	[tilespmem:$0x10100] =	vst v63  }
.Ltmp2:
0x7b: {  	_ = 	snop;
	(pc) =	sbr.rel @p0 .LBB2_3-.Ltmp2, $4  }
0x7c: {  	_ = 	snop  }
0x7d: {  	[tilespmem:s29], [sflag:$0x1] =	stream.indirect_vreg.gather [hbm4b:s6+s3], $0x80, v3, vm0, $0xb8;
	[tilespmem:$0x10100] =	vst v63  }
0x7e: {  	_ = 	snop  }
0x7f: {  	[tilespmem:s30], [sflag:$0x1] =	stream.indirect_vreg.gather [hbm4b:s7+s3], $0x80, v3, vm0, $0xb8;
	[tilespmem:$0x10100] =	vst v63  }
.Ltmp3:
0x80: {  	(pc) =	sbr.rel .LBB2_4-.Ltmp3, $4  }
0x81: {  	_ =	swait.ge [sflag:s0], $0x8000  }
0x82: {  	[sflag:s0] =	ssyncset.done $0x0  }
0x83: {  	s12 =	simm.s32 $0x3;
	[sflag:s0] =	ssyncadd.s32 $0xFFFF8000  }
0x84: {  	[hbm4b:s8+s3] =	stream.linear.scatter [tilespmem:s14], [sflag:$0x3], $0x6000, $0x38;
	[tilespmem:$0x10100] =	vst v63  }
.LBB2_5:
0x85: {  	_ =	sfence.sel $0x180000  }
0x86: {  	[bflag:$0x0] =	sbarrier.arrive $0xFFFF  }
0x87: {  	_ =	strace $0x90000047  }
0x88: {  	s0 =	stileid.u32;
	[bflag:$0x2] =	sbarrier.arrive $0xFFFF  }
0x89: {  	p0 =	sne.s32 s0, $0x0;
	s0 =	rddreg [dreg:$0x3]  }
0x8a: {  	s0 =	sadd.s32 @!p0 $0x100000, s0  }
0x8b: {  	[sflag:s0] =	ssyncadd.tile.s32 @!p0 $0x1;
	_ =	shalt  }
.Lfunc_end2:
_tile_overlayer_lowered:
.L_overlay_start_2:
0x8c: {  	(tag) =	ssettag $0x2  }
0x8d: {  	s0 =	rddreg [dreg:$0x0];
	s2 =	stileid.u32  }
0x8e: {  	s1 =	rddreg [dreg:$0x1];
	p0 =	sne.s32 s2, $0x0  }
0x8f: {  	s3 =	rddreg [dreg:$0x2];
	[bflag:$0x3] =	sbarrier.arrive $0xFFFF;
	s2 =	simm.s32 @!p0 $0x1C05  }
0x90: {  	[timem:s3], [sflag:s2] =	dma.local @!p0 [hbm:s0], s1  }
0x91: {  	s0 =	simm.s32 @!p0 $0x5  }
0x92: {  	_ =	swait.ge @!p0 [sflag:s0], s1  }
0x93: {  	s1 =	ssub.s32 @!p0 $0x0, s1;
	[sflag:s0] =	ssyncset.done @!p0 $0x0  }
0x94: {  	[sflag:s0] =	ssyncadd.s32 @!p0 s1  }
0x95: {  	[bflag:$0x3] =	sbarrier.arrive $0xFFFF  }
0x96: {  	_ =	shalt  }

</sc_bundles>
